<compile_context>
chip_gen: v7x
topology: tpu7x:2x2x1
jax: 0.10.2.dev20260603
libtpu: 0.0.44.dev20260713+nightly
codegen_flags: <defaults>
</compile_context>

<pallas_src>
import functools

import jax
import jax.numpy as jnp
from jax import lax
from jax.experimental import pallas as pl
from jax.experimental.pallas import tpu as pltpu
from jax.experimental.pallas import tpu_sc as plsc

N_NODES = 100000
EMB = 128
GRAPHS = 1024
NC, NS = 2, 16
NW = NC * NS
CHUNK = 128
FULL_CHUNKS = N_NODES // CHUNK
TAIL = N_NODES - FULL_CHUNKS * CHUNK
SLOTS = -(-(FULL_CHUNKS + 1) // NW)
ROWS_PER_TILE = GRAPHS // NS
CNT_W = 16
NBUF = 4


def _sc_segment_sums(x, batch_i32, zsum, zcnt, ones):
    mesh = plsc.VectorSubcoreMesh(
        core_axis_name="c", subcore_axis_name="s",
        num_cores=NC, num_subcores=NS)

    @functools.partial(
        pl.kernel,
        out_type=(
            jax.ShapeDtypeStruct((NC, GRAPHS, EMB), jnp.float32),
            jax.ShapeDtypeStruct((NC, GRAPHS, CNT_W), jnp.float32),
        ),
        mesh=mesh,
        scratch_types=[
            pltpu.VMEM((NBUF, CHUNK), jnp.int32),
            pltpu.VMEM((CHUNK, EMB), jnp.float32),
            pltpu.VMEM((CHUNK, EMB), jnp.float32),
            pltpu.VMEM((CHUNK, EMB), jnp.float32),
            pltpu.VMEM((CHUNK, EMB), jnp.float32),
            pltpu.VMEM((CHUNK, CNT_W), jnp.float32),
            pltpu.VMEM((TAIL,), jnp.int32),
            pltpu.VMEM((TAIL, EMB), jnp.float32),
            pltpu.SemaphoreType.DMA,
            pltpu.SemaphoreType.DMA,
            pltpu.SemaphoreType.DMA,
            pltpu.SemaphoreType.DMA,
            pltpu.SemaphoreType.DMA,
            pltpu.SemaphoreType.DMA,
            pltpu.SemaphoreType.DMA,
            pltpu.SemaphoreType.DMA,
            pltpu.VMEM_SHARED((GRAPHS, EMB), jnp.float32),
            pltpu.VMEM_SHARED((GRAPHS, CNT_W), jnp.float32),
        ],
    )
    def k(x_hbm, b_hbm, zsum_hbm, zcnt_hbm, ones_hbm,
          out_hbm, cntout_hbm,
          idxr, xb0, xb1, xb2, xb3, ones_v, idx_t, xb_t,
          lsem0, lsem1, lsem2, lsem3, ssem0, ssem1, ssem2, ssem3, acc, cnt):
        cid = lax.axis_index("c")
        sid = lax.axis_index("s")
        w = cid * NS + sid
        base = sid * ROWS_PER_TILE
        xbs = (xb0, xb1, xb2, xb3)
        lsems = (lsem0, lsem1, lsem2, lsem3)
        ssems = (ssem0, ssem1, ssem2, ssem3)

        def issue_load(j, bnum):
            @pl.when((j >= 0) & (w + NW * j < FULL_CHUNKS))
            def _():
                off = (w + NW * j) * CHUNK
                pltpu.async_copy(b_hbm.at[pl.ds(off, CHUNK)],
                                 idxr.at[bnum], lsems[bnum])
                pltpu.async_copy(x_hbm.at[pl.ds(off, CHUNK)],
                                 xbs[bnum], lsems[bnum])

        def wait_load(j, bnum):
            @pl.when((j >= 0) & (w + NW * j < FULL_CHUNKS))
            def _():
                off = (w + NW * j) * CHUNK
                pltpu.make_async_copy(b_hbm.at[pl.ds(off, CHUNK)],
                                      idxr.at[bnum], lsems[bnum]).wait()
                pltpu.make_async_copy(x_hbm.at[pl.ds(off, CHUNK)],
                                      xbs[bnum], lsems[bnum]).wait()

        def issue_scat(j, bnum):
            @pl.when((j >= 0) & (w + NW * j < FULL_CHUNKS))
            def _():
                pltpu.async_copy(xbs[bnum], acc.at[idxr.at[bnum]],
                                 ssems[bnum], add=True)
                pltpu.async_copy(ones_v, cnt.at[idxr.at[bnum]],
                                 ssems[bnum], add=True)

        def wait_scat(j, bnum):
            @pl.when((j >= 0) & (w + NW * j < FULL_CHUNKS))
            def _():
                pltpu.make_async_copy(xbs[bnum], acc.at[idxr.at[bnum]],
                                      ssems[bnum]).wait()
                pltpu.make_async_copy(ones_v, cnt.at[idxr.at[bnum]],
                                      ssems[bnum]).wait()

        issue_load(0, 0)
        issue_load(1, 1)
        pltpu.sync_copy(zsum_hbm.at[pl.ds(base, ROWS_PER_TILE)],
                        acc.at[pl.ds(base, ROWS_PER_TILE)])
        pltpu.sync_copy(zcnt_hbm.at[pl.ds(base, ROWS_PER_TILE)],
                        cnt.at[pl.ds(base, ROWS_PER_TILE)])
        pltpu.sync_copy(ones_hbm, ones_v)
        plsc.subcore_barrier()

        def body(g, carry):
            for bnum in range(NBUF):
                j = NBUF * g + bnum
                wait_scat(j - 2, (bnum + 2) % NBUF)
                wait_load(j, bnum)
                issue_scat(j, bnum)
                issue_load(j + 2, (bnum + 2) % NBUF)
            return carry

        lax.fori_loop(0, (SLOTS + NBUF + 1) // NBUF, body, 0)

        @pl.when(w == 0)
        def _tail():
            off = FULL_CHUNKS * CHUNK
            pltpu.sync_copy(b_hbm.at[pl.ds(off, TAIL)], idx_t)
            pltpu.sync_copy(x_hbm.at[pl.ds(off, TAIL)], xb_t)
            pltpu.sync_copy(xb_t, acc.at[idx_t], add=True)
            pltpu.sync_copy(ones_v.at[pl.ds(0, TAIL)], cnt.at[idx_t], add=True)

        plsc.subcore_barrier()
        pltpu.sync_copy(acc.at[pl.ds(base, ROWS_PER_TILE)],
                        out_hbm.at[cid, pl.ds(base, ROWS_PER_TILE)])
        pltpu.sync_copy(cnt.at[pl.ds(base, ROWS_PER_TILE)],
                        cntout_hbm.at[cid, pl.ds(base, ROWS_PER_TILE)])

    return k(x, batch_i32, zsum, zcnt, ones)


def _tc_head(pool, cnts, gamma, beta, W, b):
    num_tasks = W.shape[1]

    def body(p_ref, c_ref, g_ref, be_ref, w_ref, b_ref, o_ref):
        s = p_ref[0] + p_ref[1]
        cc = c_ref[0] + c_ref[1]
        cnt = cc[:, 0:1]
        rep = s / jnp.maximum(cnt, 1.0)
        mu = jnp.mean(rep, axis=1, keepdims=True)
        var = jnp.mean((rep - mu) ** 2, axis=1, keepdims=True)
        nrm = (rep - mu) * lax.rsqrt(var + 1e-5) * g_ref[...] + be_ref[...]
        o_ref[...] = (jnp.dot(nrm, w_ref[...],
                              preferred_element_type=jnp.float32)
                      + b_ref[...])

    return pl.pallas_call(
        body,
        out_shape=jax.ShapeDtypeStruct((GRAPHS, num_tasks), jnp.float32),
    )(pool, cnts, gamma.reshape(1, EMB), beta.reshape(1, EMB), W,
      b.reshape(1, num_tasks))


def kernel(x, batch, gamma, beta, W, b):
    batch_i32 = batch.astype(jnp.int32)
    zsum = jnp.zeros((GRAPHS, EMB), jnp.float32)
    zcnt = jnp.zeros((GRAPHS, CNT_W), jnp.float32)
    ones = jnp.ones((CHUNK, CNT_W), jnp.float32)
    pool, cnts = _sc_segment_sums(x, batch_i32, zsum, zcnt, ones)
    return _tc_head(pool, cnts, gamma, beta, W, b)

# --- scband reference (transcript-rebuilt; emitter-appended) ---
"""Pipeline reference for scband-graph-clf-50955492000003 (READ-ONLY COPY).

The authoritative reference and input builder live on the scoring server;
editing this copy changes nothing except your own understanding.
"""

import jax, jax.numpy as jnp
import numpy as np

NUM_GRAPHS = 1024
EMB_DIM = 128
NUM_TASKS = 128
N_NODES = 100000

def setup_inputs(seed: int = 0) -> dict:
    key = jax.random.key(seed)
    k1, k2, k3 = jax.random.split(key, 3)
    x = jax.random.normal(k1, (N_NODES, EMB_DIM), dtype=jnp.float32)
    batch = jnp.sort(jax.random.randint(k2, (N_NODES,), 0, NUM_GRAPHS, dtype=jnp.int64))
    # learned params: LayerNorm gamma/beta (emb_dim), Linear W (emb_dim, num_tasks), b (num_tasks)
    gamma = jnp.ones((EMB_DIM,), dtype=jnp.float32)
    beta = jnp.zeros((EMB_DIM,), dtype=jnp.float32)
    W = jax.random.normal(k3, (EMB_DIM, NUM_TASKS), dtype=jnp.float32) * (1.0 / np.sqrt(EMB_DIM))
    b = jnp.zeros((NUM_TASKS,), dtype=jnp.float32)
    return {"x": x, "batch": batch, "gamma": gamma, "beta": beta, "W": W, "b": b}

def reference(x, batch, gamma, beta, W, b):
    # gnn = identity, so node_representation = x
    # global_mean_pool: segment mean over batch ids
    sums = jax.ops.segment_sum(x, batch, num_segments=NUM_GRAPHS)
    counts = jax.ops.segment_sum(jnp.ones((x.shape[0], 1), dtype=x.dtype), batch, num_segments=NUM_GRAPHS)
    graph_rep = sums / jnp.maximum(counts, 1.0)
    # LayerNorm (clf_norm == 'layer')
    mu = jnp.mean(graph_rep, axis=-1, keepdims=True)
    var = jnp.mean((graph_rep - mu) ** 2, axis=-1, keepdims=True)
    normed = (graph_rep - mu) / jnp.sqrt(var + 1e-5) * gamma + beta
    # Linear head
    return normed @ W + b

if __name__ == "__main__":
    import jax
    _d = setup_inputs()
    print(jax.jit(kernel)(*tuple(_d.values())))

</pallas_src>

<mosaic_0001>
#map = affine_map<(d0, d1) -> (0, 0)>
#map1 = affine_map<(d0, d1) -> (0)>
#map2 = affine_map<(d0, d1) -> (0, 0, 0)>
module attributes {stable_mosaic.version = 14 : i64} {
  func.func @k(%arg0: i32, %arg1: i32, %arg2: memref<100000x128xf32, #tpu.memory_space<hbm>>, %arg3: memref<100000xi32, #tpu.memory_space<hbm>>, %arg4: memref<1024x128xf32, #tpu.memory_space<hbm>>, %arg5: memref<1024x16xf32, #tpu.memory_space<hbm>>, %arg6: memref<128x16xf32, #tpu.memory_space<hbm>>, %arg7: memref<2x1024x128xf32, #tpu.memory_space<hbm>>, %arg8: memref<2x1024x16xf32, #tpu.memory_space<hbm>>, %arg9: memref<4x128xi32, #tpu.memory_space<vmem>>, %arg10: memref<128x128xf32, #tpu.memory_space<vmem>>, %arg11: memref<128x128xf32, #tpu.memory_space<vmem>>, %arg12: memref<128x128xf32, #tpu.memory_space<vmem>>, %arg13: memref<128x128xf32, #tpu.memory_space<vmem>>, %arg14: memref<128x16xf32, #tpu.memory_space<vmem>>, %arg15: memref<32xi32, #tpu.memory_space<vmem>>, %arg16: memref<32x128xf32, #tpu.memory_space<vmem>>, %arg17: memref<!tpu.dma_semaphore, #tpu.memory_space<semaphore_mem>>, %arg18: memref<!tpu.dma_semaphore, #tpu.memory_space<semaphore_mem>>, %arg19: memref<!tpu.dma_semaphore, #tpu.memory_space<semaphore_mem>>, %arg20: memref<!tpu.dma_semaphore, #tpu.memory_space<semaphore_mem>>, %arg21: memref<!tpu.dma_semaphore, #tpu.memory_space<semaphore_mem>>, %arg22: memref<!tpu.dma_semaphore, #tpu.memory_space<semaphore_mem>>, %arg23: memref<!tpu.dma_semaphore, #tpu.memory_space<semaphore_mem>>, %arg24: memref<!tpu.dma_semaphore, #tpu.memory_space<semaphore_mem>>, %arg25: memref<1024x128xf32, #tpu.memory_space<vmem_shared>>, %arg26: memref<1024x16xf32, #tpu.memory_space<vmem_shared>>) attributes {dimension_semantics = [#tpu.dimension_semantics<core_parallel>, #tpu.dimension_semantics<subcore_parallel>], iteration_bounds = array<i64: 2, 16>, scalar_prefetch = 0 : i64, scratch_operands = 18 : i64, tpu.core_type = #tpu.core_type<sc_vector_subcore>, window_params = [{transform_indices = #map}, {transform_indices = #map1}, {transform_indices = #map}, {transform_indices = #map}, {transform_indices = #map}, {transform_indices = #map2}, {transform_indices = #map2}]} {
    %mul3A = arith.constant 16 : i32
    %mul3A_0 = arith.muli %arg0, %mul3A : i32
    %add3A = arith.addi %mul3A_0, %arg1 : i32
    %mul3A_1 = arith.constant 64 : i32
    %mul3A_2 = arith.muli %arg1, %mul3A_1 : i32
    %add3A_3 = arith.constant 0 : i32
    %add3A_4 = arith.addi %add3A, %add3A_3 : i32
    %lt3A = arith.constant 781 : i32
    %lt3A_5 = arith.cmpi slt, %add3A_4, %lt3A : i32
    %and3A = arith.constant true
    %and3A_6 = arith.andi %and3A, %lt3A_5 : i1
    %convert_element_type3A = arith.extui %and3A_6 : i1 to i32
    %cond3A = arith.constant 0 : i32
    %cond3A_7 = arith.cmpi ne, %convert_element_type3A, %cond3A : i32
    scf.if %cond3A_7 {
      %add3A_27 = arith.constant 0 : i32
      %add3A_28 = arith.addi %add3A, %add3A_27 : i32
      %mul3A_29 = arith.constant 128 : i32
      %mul3A_30 = arith.muli %add3A_28, %mul3A_29 : i32
      %dma_start3A = arith.constant 0 : i32
      %dma_start3A_31 = arith.constant 0 : i32
      %dma_start3A_32 = tpu.memref_slice %arg9[%dma_start3A, %dma_start3A_31] : memref<4x128xi32, #tpu.memory_space<vmem>> -> memref<1x128xi32, #tpu.memory_space<vmem>>
      %dma_start3A_33 = tpu.memref_squeeze %dma_start3A_32 : memref<1x128xi32, #tpu.memory_space<vmem>> -> memref<128xi32, #tpu.memory_space<vmem>>
      %dma_start3A_34 = tpu.memref_slice %arg3[%mul3A_30] : memref<100000xi32, #tpu.memory_space<hbm>> -> memref<128xi32, #tpu.memory_space<hbm>>
      %dma_start3A_35 = arith.constant 0 : i32
      %dma_start3A_36 = tpu.memref_slice %arg9[%dma_start3A, %dma_start3A_35] : memref<4x128xi32, #tpu.memory_space<vmem>> -> memref<1x128xi32, #tpu.memory_space<vmem>>
      %dma_start3A_37 = tpu.memref_squeeze %dma_start3A_36 : memref<1x128xi32, #tpu.memory_space<vmem>> -> memref<128xi32, #tpu.memory_space<vmem>>
      %dma_start3A_38 = tpu.memref_slice %arg3[%mul3A_30] : memref<100000xi32, #tpu.memory_space<hbm>> -> memref<128xi32, #tpu.memory_space<hbm>>
      tpu.enqueue_dma source(%dma_start3A_38 : memref<128xi32, #tpu.memory_space<hbm>>) target(%dma_start3A_37 : memref<128xi32, #tpu.memory_space<vmem>>) target_semaphore(%arg17 : memref<!tpu.dma_semaphore, #tpu.memory_space<semaphore_mem>>)
      %dma_start3A_39 = arith.constant 0 : i32
      %dma_start3A_40 = tpu.memref_slice %arg2[%mul3A_30, %dma_start3A_39] : memref<100000x128xf32, #tpu.memory_space<hbm>> -> memref<128x128xf32, #tpu.memory_space<hbm>>
      %dma_start3A_41 = arith.constant 0 : i32
      %dma_start3A_42 = tpu.memref_slice %arg2[%mul3A_30, %dma_start3A_41] : memref<100000x128xf32, #tpu.memory_space<hbm>> -> memref<128x128xf32, #tpu.memory_space<hbm>>
      tpu.enqueue_dma source(%dma_start3A_42 : memref<128x128xf32, #tpu.memory_space<hbm>>) target(%arg10 : memref<128x128xf32, #tpu.memory_space<vmem>>) target_semaphore(%arg17 : memref<!tpu.dma_semaphore, #tpu.memory_space<semaphore_mem>>)
    } else {
    }
    %add3A_8 = arith.constant 32 : i32
    %add3A_9 = arith.addi %add3A, %add3A_8 : i32
    %lt3A_10 = arith.constant 781 : i32
    %lt3A_11 = arith.cmpi slt, %add3A_9, %lt3A_10 : i32
    %and3A_12 = arith.constant true
    %and3A_13 = arith.andi %and3A_12, %lt3A_11 : i1
    %convert_element_type3A_14 = arith.extui %and3A_13 : i1 to i32
    %cond3A_15 = arith.constant 0 : i32
    %cond3A_16 = arith.cmpi ne, %convert_element_type3A_14, %cond3A_15 : i32
    scf.if %cond3A_16 {
      %add3A_27 = arith.constant 32 : i32
      %add3A_28 = arith.addi %add3A, %add3A_27 : i32
      %mul3A_29 = arith.constant 128 : i32
      %mul3A_30 = arith.muli %add3A_28, %mul3A_29 : i32
      %dma_start3A = arith.constant 1 : i32
      %dma_start3A_31 = arith.constant 0 : i32
      %dma_start3A_32 = tpu.memref_slice %arg9[%dma_start3A, %dma_start3A_31] : memref<4x128xi32, #tpu.memory_space<vmem>> -> memref<1x128xi32, #tpu.memory_space<vmem>>
      %dma_start3A_33 = tpu.memref_squeeze %dma_start3A_32 : memref<1x128xi32, #tpu.memory_space<vmem>> -> memref<128xi32, #tpu.memory_space<vmem>>
      %dma_start3A_34 = tpu.memref_slice %arg3[%mul3A_30] : memref<100000xi32, #tpu.memory_space<hbm>> -> memref<128xi32, #tpu.memory_space<hbm>>
      %dma_start3A_35 = arith.constant 0 : i32
      %dma_start3A_36 = tpu.memref_slice %arg9[%dma_start3A, %dma_start3A_35] : memref<4x128xi32, #tpu.memory_space<vmem>> -> memref<1x128xi32, #tpu.memory_space<vmem>>
      %dma_start3A_37 = tpu.memref_squeeze %dma_start3A_36 : memref<1x128xi32, #tpu.memory_space<vmem>> -> memref<128xi32, #tpu.memory_space<vmem>>
      %dma_start3A_38 = tpu.memref_slice %arg3[%mul3A_30] : memref<100000xi32, #tpu.memory_space<hbm>> -> memref<128xi32, #tpu.memory_space<hbm>>
      tpu.enqueue_dma source(%dma_start3A_38 : memref<128xi32, #tpu.memory_space<hbm>>) target(%dma_start3A_37 : memref<128xi32, #tpu.memory_space<vmem>>) target_semaphore(%arg18 : memref<!tpu.dma_semaphore, #tpu.memory_space<semaphore_mem>>)
      %dma_start3A_39 = arith.constant 0 : i32
      %dma_start3A_40 = tpu.memref_slice %arg2[%mul3A_30, %dma_start3A_39] : memref<100000x128xf32, #tpu.memory_space<hbm>> -> memref<128x128xf32, #tpu.memory_space<hbm>>
      %dma_start3A_41 = arith.constant 0 : i32
      %dma_start3A_42 = tpu.memref_slice %arg2[%mul3A_30, %dma_start3A_41] : memref<100000x128xf32, #tpu.memory_space<hbm>> -> memref<128x128xf32, #tpu.memory_space<hbm>>
      tpu.enqueue_dma source(%dma_start3A_42 : memref<128x128xf32, #tpu.memory_space<hbm>>) target(%arg11 : memref<128x128xf32, #tpu.memory_space<vmem>>) target_semaphore(%arg18 : memref<!tpu.dma_semaphore, #tpu.memory_space<semaphore_mem>>)
    } else {
    }
    "tpu.region"() ({
      %run_scoped3A = tpu.sem_alloc : memref<!tpu.dma_semaphore, #tpu.memory_space<semaphore_mem>>
      %dma_start3A = arith.constant 0 : i32
      %dma_start3A_27 = tpu.memref_slice %arg25[%mul3A_2, %dma_start3A] : memref<1024x128xf32, #tpu.memory_space<vmem_shared>> -> memref<64x128xf32, #tpu.memory_space<vmem_shared>>
      %dma_start3A_28 = arith.constant 0 : i32
      %dma_start3A_29 = tpu.memref_slice %arg4[%mul3A_2, %dma_start3A_28] : memref<1024x128xf32, #tpu.memory_space<hbm>> -> memref<64x128xf32, #tpu.memory_space<hbm>>
      tpu.enqueue_dma source(%dma_start3A_29 : memref<64x128xf32, #tpu.memory_space<hbm>>) target(%dma_start3A_27 : memref<64x128xf32, #tpu.memory_space<vmem_shared>>) target_semaphore(%run_scoped3A : memref<!tpu.dma_semaphore, #tpu.memory_space<semaphore_mem>>)
      %dma_wait3A = arith.constant 0 : i32
      %dma_wait3A_30 = tpu.memref_slice %arg25[%mul3A_2, %dma_wait3A] : memref<1024x128xf32, #tpu.memory_space<vmem_shared>> -> memref<64x128xf32, #tpu.memory_space<vmem_shared>>
      %dma_wait3A_31 = arith.constant 0 : i32
      %dma_wait3A_32 = tpu.memref_slice %arg4[%mul3A_2, %dma_wait3A_31] : memref<1024x128xf32, #tpu.memory_space<hbm>> -> memref<64x128xf32, #tpu.memory_space<hbm>>
      tpu.wait_dma2 semaphore(%run_scoped3A : memref<!tpu.dma_semaphore, #tpu.memory_space<semaphore_mem>>) src(%dma_wait3A_32 : memref<64x128xf32, #tpu.memory_space<hbm>>) dst(%dma_wait3A_30 : memref<64x128xf32, #tpu.memory_space<vmem_shared>>)
      tpu.yield
    }) : () -> ()
    "tpu.region"() ({
      %run_scoped3A = tpu.sem_alloc : memref<!tpu.dma_semaphore, #tpu.memory_space<semaphore_mem>>
      %dma_start3A = arith.constant 0 : i32
      %dma_start3A_27 = tpu.memref_slice %arg26[%mul3A_2, %dma_start3A] : memref<1024x16xf32, #tpu.memory_space<vmem_shared>> -> memref<64x16xf32, #tpu.memory_space<vmem_shared>>
      %dma_start3A_28 = arith.constant 0 : i32
      %dma_start3A_29 = tpu.memref_slice %arg5[%mul3A_2, %dma_start3A_28] : memref<1024x16xf32, #tpu.memory_space<hbm>> -> memref<64x16xf32, #tpu.memory_space<hbm>>
      tpu.enqueue_dma source(%dma_start3A_29 : memref<64x16xf32, #tpu.memory_space<hbm>>) target(%dma_start3A_27 : memref<64x16xf32, #tpu.memory_space<vmem_shared>>) target_semaphore(%run_scoped3A : memref<!tpu.dma_semaphore, #tpu.memory_space<semaphore_mem>>)
      %dma_wait3A = arith.constant 0 : i32
      %dma_wait3A_30 = tpu.memref_slice %arg26[%mul3A_2, %dma_wait3A] : memref<1024x16xf32, #tpu.memory_space<vmem_shared>> -> memref<64x16xf32, #tpu.memory_space<vmem_shared>>
      %dma_wait3A_31 = arith.constant 0 : i32
      %dma_wait3A_32 = tpu.memref_slice %arg5[%mul3A_2, %dma_wait3A_31] : memref<1024x16xf32, #tpu.memory_space<hbm>> -> memref<64x16xf32, #tpu.memory_space<hbm>>
      tpu.wait_dma2 semaphore(%run_scoped3A : memref<!tpu.dma_semaphore, #tpu.memory_space<semaphore_mem>>) src(%dma_wait3A_32 : memref<64x16xf32, #tpu.memory_space<hbm>>) dst(%dma_wait3A_30 : memref<64x16xf32, #tpu.memory_space<vmem_shared>>)
      tpu.yield
    }) : () -> ()
    "tpu.region"() ({
      %run_scoped3A = tpu.sem_alloc : memref<!tpu.dma_semaphore, #tpu.memory_space<semaphore_mem>>
      tpu.enqueue_dma source(%arg6 : memref<128x16xf32, #tpu.memory_space<hbm>>) target(%arg14 : memref<128x16xf32, #tpu.memory_space<vmem>>) target_semaphore(%run_scoped3A : memref<!tpu.dma_semaphore, #tpu.memory_space<semaphore_mem>>)
      tpu.wait_dma2 semaphore(%run_scoped3A : memref<!tpu.dma_semaphore, #tpu.memory_space<semaphore_mem>>) src(%arg6 : memref<128x16xf32, #tpu.memory_space<hbm>>) dst(%arg14 : memref<128x16xf32, #tpu.memory_space<vmem>>)
      tpu.yield
    }) : () -> ()
    %barrier3A = arith.constant 0 : index
    tpu.barrier barrier_id(%barrier3A)
    %scan3A = arith.constant 0 : i32
    %scan3A_17 = arith.constant 0 : i32
    %scan3A_18 = arith.constant 7 : i32
    %scan3A_19 = arith.addi %scan3A_17, %scan3A_18 : i32
    %scan3A_20 = arith.constant 1 : i32
    scf.for %scan3A_27 = %scan3A_17 to %scan3A_19 step %scan3A_20  : i32 {
      %mul3A_28 = arith.constant 4 : i32
      %mul3A_29 = arith.muli %mul3A_28, %scan3A_27 : i32
      %add3A_30 = arith.constant 0 : i32
      %add3A_31 = arith.addi %mul3A_29, %add3A_30 : i32
      %sub3A = arith.constant 2 : i32
      %sub3A_32 = arith.subi %add3A_31, %sub3A : i32
      %ge3A = arith.constant 0 : i32
      %ge3A_33 = arith.cmpi sge, %sub3A_32, %ge3A : i32
      %mul3A_34 = arith.constant 32 : i32
      %mul3A_35 = arith.muli %mul3A_34, %sub3A_32 : i32
      %add3A_36 = arith.addi %add3A, %mul3A_35 : i32
      %lt3A_37 = arith.constant 781 : i32
      %lt3A_38 = arith.cmpi slt, %add3A_36, %lt3A_37 : i32
      %and3A_39 = arith.andi %ge3A_33, %lt3A_38 : i1
      %convert_element_type3A_40 = arith.extui %and3A_39 : i1 to i32
      %cond3A_41 = arith.constant 0 : i32
      %cond3A_42 = arith.cmpi ne, %convert_element_type3A_40, %cond3A_41 : i32
      scf.if %cond3A_42 {
        %dma_wait3A = arith.constant 2 : i32
        %dma_wait3A_234 = arith.constant 0 : i32
        %dma_wait3A_235 = tpu.memref_slice %arg9[%dma_wait3A, %dma_wait3A_234] : memref<4x128xi32, #tpu.memory_space<vmem>> -> memref<1x128xi32, #tpu.memory_space<vmem>>
        %dma_wait3A_236 = tpu.memref_squeeze %dma_wait3A_235 : memref<1x128xi32, #tpu.memory_space<vmem>> -> memref<128xi32, #tpu.memory_space<vmem>>
        %dma_wait3A_237 = arith.constant 0 : i32
        %dma_wait3A_238 = arith.constant 0 : i32
        %dma_wait3A_239 = tpu.memref_slice %arg25[%dma_wait3A_237, %dma_wait3A_238] : memref<1024x128xf32, #tpu.memory_space<vmem_shared>> -> memref<1024x128xf32, #tpu.memory_space<vmem_shared>>
        tpu.wait_indirect_dma semaphore(%arg23 : memref<!tpu.dma_semaphore, #tpu.memory_space<semaphore_mem>>) src(%arg12 : memref<128x128xf32, #tpu.memory_space<vmem>>) dst(%dma_wait3A_239 : memref<1024x128xf32, #tpu.memory_space<vmem_shared>>)
        %dma_wait3A_240 = arith.constant 2 : i32
        %dma_wait3A_241 = arith.constant 0 : i32
        %dma_wait3A_242 = tpu.memref_slice %arg9[%dma_wait3A_240, %dma_wait3A_241] : memref<4x128xi32, #tpu.memory_space<vmem>> -> memref<1x128xi32, #tpu.memory_space<vmem>>
        %dma_wait3A_243 = tpu.memref_squeeze %dma_wait3A_242 : memref<1x128xi32, #tpu.memory_space<vmem>> -> memref<128xi32, #tpu.memory_space<vmem>>
        %dma_wait3A_244 = arith.constant 0 : i32
        %dma_wait3A_245 = arith.constant 0 : i32
        %dma_wait3A_246 = tpu.memref_slice %arg26[%dma_wait3A_244, %dma_wait3A_245] : memref<1024x16xf32, #tpu.memory_space<vmem_shared>> -> memref<1024x16xf32, #tpu.memory_space<vmem_shared>>
        tpu.wait_indirect_dma semaphore(%arg23 : memref<!tpu.dma_semaphore, #tpu.memory_space<semaphore_mem>>) src(%arg14 : memref<128x16xf32, #tpu.memory_space<vmem>>) dst(%dma_wait3A_246 : memref<1024x16xf32, #tpu.memory_space<vmem_shared>>)
      } else {
      }
      %ge3A_43 = arith.constant 0 : i32
      %ge3A_44 = arith.cmpi sge, %add3A_31, %ge3A_43 : i32
      %mul3A_45 = arith.constant 32 : i32
      %mul3A_46 = arith.muli %mul3A_45, %add3A_31 : i32
      %add3A_47 = arith.addi %add3A, %mul3A_46 : i32
      %lt3A_48 = arith.constant 781 : i32
      %lt3A_49 = arith.cmpi slt, %add3A_47, %lt3A_48 : i32
      %and3A_50 = arith.andi %ge3A_44, %lt3A_49 : i1
      %convert_element_type3A_51 = arith.extui %and3A_50 : i1 to i32
      %cond3A_52 = arith.constant 0 : i32
      %cond3A_53 = arith.cmpi ne, %convert_element_type3A_51, %cond3A_52 : i32
      scf.if %cond3A_53 {
        %mul3A_234 = arith.constant 32 : i32
        %mul3A_235 = arith.muli %mul3A_234, %add3A_31 : i32
        %add3A_236 = arith.addi %add3A, %mul3A_235 : i32
        %mul3A_237 = arith.constant 128 : i32
        %mul3A_238 = arith.muli %add3A_236, %mul3A_237 : i32
        %dma_wait3A = arith.constant 0 : i32
        %dma_wait3A_239 = arith.constant 0 : i32
        %dma_wait3A_240 = tpu.memref_slice %arg9[%dma_wait3A, %dma_wait3A_239] : memref<4x128xi32, #tpu.memory_space<vmem>> -> memref<1x128xi32, #tpu.memory_space<vmem>>
        %dma_wait3A_241 = tpu.memref_squeeze %dma_wait3A_240 : memref<1x128xi32, #tpu.memory_space<vmem>> -> memref<128xi32, #tpu.memory_space<vmem>>
        %dma_wait3A_242 = tpu.memref_slice %arg3[%mul3A_238] : memref<100000xi32, #tpu.memory_space<hbm>> -> memref<128xi32, #tpu.memory_space<hbm>>
        %dma_wait3A_243 = arith.constant 0 : i32
        %dma_wait3A_244 = tpu.memref_slice %arg9[%dma_wait3A, %dma_wait3A_243] : memref<4x128xi32, #tpu.memory_space<vmem>> -> memref<1x128xi32, #tpu.memory_space<vmem>>
        %dma_wait3A_245 = tpu.memref_squeeze %dma_wait3A_244 : memref<1x128xi32, #tpu.memory_space<vmem>> -> memref<128xi32, #tpu.memory_space<vmem>>
        %dma_wait3A_246 = tpu.memref_slice %arg3[%mul3A_238] : memref<100000xi32, #tpu.memory_space<hbm>> -> memref<128xi32, #tpu.memory_space<hbm>>
        tpu.wait_dma2 semaphore(%arg17 : memref<!tpu.dma_semaphore, #tpu.memory_space<semaphore_mem>>) src(%dma_wait3A_246 : memref<128xi32, #tpu.memory_space<hbm>>) dst(%dma_wait3A_245 : memref<128xi32, #tpu.memory_space<vmem>>)
        %dma_wait3A_247 = arith.constant 0 : i32
        %dma_wait3A_248 = tpu.memref_slice %arg2[%mul3A_238, %dma_wait3A_247] : memref<100000x128xf32, #tpu.memory_space<hbm>> -> memref<128x128xf32, #tpu.memory_space<hbm>>
        %dma_wait3A_249 = arith.constant 0 : i32
        %dma_wait3A_250 = tpu.memref_slice %arg2[%mul3A_238, %dma_wait3A_249] : memref<100000x128xf32, #tpu.memory_space<hbm>> -> memref<128x128xf32, #tpu.memory_space<hbm>>
        tpu.wait_dma2 semaphore(%arg17 : memref<!tpu.dma_semaphore, #tpu.memory_space<semaphore_mem>>) src(%dma_wait3A_250 : memref<128x128xf32, #tpu.memory_space<hbm>>) dst(%arg10 : memref<128x128xf32, #tpu.memory_space<vmem>>)
      } else {
      }
      %ge3A_54 = arith.constant 0 : i32
      %ge3A_55 = arith.cmpi sge, %add3A_31, %ge3A_54 : i32
      %mul3A_56 = arith.constant 32 : i32
      %mul3A_57 = arith.muli %mul3A_56, %add3A_31 : i32
      %add3A_58 = arith.addi %add3A, %mul3A_57 : i32
      %lt3A_59 = arith.constant 781 : i32
      %lt3A_60 = arith.cmpi slt, %add3A_58, %lt3A_59 : i32
      %and3A_61 = arith.andi %ge3A_55, %lt3A_60 : i1
      %convert_element_type3A_62 = arith.extui %and3A_61 : i1 to i32
      %cond3A_63 = arith.constant 0 : i32
      %cond3A_64 = arith.cmpi ne, %convert_element_type3A_62, %cond3A_63 : i32
      scf.if %cond3A_64 {
        %dma_start3A = arith.constant 0 : i32
        %dma_start3A_234 = arith.constant 0 : i32
        %dma_start3A_235 = tpu.memref_slice %arg9[%dma_start3A, %dma_start3A_234] : memref<4x128xi32, #tpu.memory_space<vmem>> -> memref<1x128xi32, #tpu.memory_space<vmem>>
        %dma_start3A_236 = tpu.memref_squeeze %dma_start3A_235 : memref<1x128xi32, #tpu.memory_space<vmem>> -> memref<128xi32, #tpu.memory_space<vmem>>
        %dma_start3A_237 = arith.constant 0 : i32
        %dma_start3A_238 = arith.constant 0 : i32
        %dma_start3A_239 = tpu.memref_slice %arg25[%dma_start3A_237, %dma_start3A_238] : memref<1024x128xf32, #tpu.memory_space<vmem_shared>> -> memref<1024x128xf32, #tpu.memory_space<vmem_shared>>
        tpu.enqueue_indirect_dma source(%arg10 : memref<128x128xf32, #tpu.memory_space<vmem>>) target(%dma_start3A_239 : memref<1024x128xf32, #tpu.memory_space<vmem_shared>>) offsets(%dma_start3A_236 : memref<128xi32, #tpu.memory_space<vmem>>) semaphore(%arg21 : memref<!tpu.dma_semaphore, #tpu.memory_space<semaphore_mem>>) {add = true}
        %dma_start3A_240 = arith.constant 0 : i32
        %dma_start3A_241 = arith.constant 0 : i32
        %dma_start3A_242 = tpu.memref_slice %arg9[%dma_start3A_240, %dma_start3A_241] : memref<4x128xi32, #tpu.memory_space<vmem>> -> memref<1x128xi32, #tpu.memory_space<vmem>>
        %dma_start3A_243 = tpu.memref_squeeze %dma_start3A_242 : memref<1x128xi32, #tpu.memory_space<vmem>> -> memref<128xi32, #tpu.memory_space<vmem>>
        %dma_start3A_244 = arith.constant 0 : i32
        %dma_start3A_245 = arith.constant 0 : i32
        %dma_start3A_246 = tpu.memref_slice %arg26[%dma_start3A_244, %dma_start3A_245] : memref<1024x16xf32, #tpu.memory_space<vmem_shared>> -> memref<1024x16xf32, #tpu.memory_space<vmem_shared>>
        tpu.enqueue_indirect_dma source(%arg14 : memref<128x16xf32, #tpu.memory_space<vmem>>) target(%dma_start3A_246 : memref<1024x16xf32, #tpu.memory_space<vmem_shared>>) offsets(%dma_start3A_243 : memref<128xi32, #tpu.memory_space<vmem>>) semaphore(%arg21 : memref<!tpu.dma_semaphore, #tpu.memory_space<semaphore_mem>>) {add = true}
      } else {
      }
      %add3A_65 = arith.constant 2 : i32
      %add3A_66 = arith.addi %add3A_31, %add3A_65 : i32
      %ge3A_67 = arith.constant 0 : i32
      %ge3A_68 = arith.cmpi sge, %add3A_66, %ge3A_67 : i32
      %mul3A_69 = arith.constant 32 : i32
      %mul3A_70 = arith.muli %mul3A_69, %add3A_66 : i32
      %add3A_71 = arith.addi %add3A, %mul3A_70 : i32
      %lt3A_72 = arith.constant 781 : i32
      %lt3A_73 = arith.cmpi slt, %add3A_71, %lt3A_72 : i32
      %and3A_74 = arith.andi %ge3A_68, %lt3A_73 : i1
      %convert_element_type3A_75 = arith.extui %and3A_74 : i1 to i32
      %cond3A_76 = arith.constant 0 : i32
      %cond3A_77 = arith.cmpi ne, %convert_element_type3A_75, %cond3A_76 : i32
      scf.if %cond3A_77 {
        %mul3A_234 = arith.constant 32 : i32
        %mul3A_235 = arith.muli %mul3A_234, %add3A_66 : i32
        %add3A_236 = arith.addi %add3A, %mul3A_235 : i32
        %mul3A_237 = arith.constant 128 : i32
        %mul3A_238 = arith.muli %add3A_236, %mul3A_237 : i32
        %dma_start3A = arith.constant 2 : i32
        %dma_start3A_239 = arith.constant 0 : i32
        %dma_start3A_240 = tpu.memref_slice %arg9[%dma_start3A, %dma_start3A_239] : memref<4x128xi32, #tpu.memory_space<vmem>> -> memref<1x128xi32, #tpu.memory_space<vmem>>
        %dma_start3A_241 = tpu.memref_squeeze %dma_start3A_240 : memref<1x128xi32, #tpu.memory_space<vmem>> -> memref<128xi32, #tpu.memory_space<vmem>>
        %dma_start3A_242 = tpu.memref_slice %arg3[%mul3A_238] : memref<100000xi32, #tpu.memory_space<hbm>> -> memref<128xi32, #tpu.memory_space<hbm>>
        %dma_start3A_243 = arith.constant 0 : i32
        %dma_start3A_244 = tpu.memref_slice %arg9[%dma_start3A, %dma_start3A_243] : memref<4x128xi32, #tpu.memory_space<vmem>> -> memref<1x128xi32, #tpu.memory_space<vmem>>
        %dma_start3A_245 = tpu.memref_squeeze %dma_start3A_244 : memref<1x128xi32, #tpu.memory_space<vmem>> -> memref<128xi32, #tpu.memory_space<vmem>>
        %dma_start3A_246 = tpu.memref_slice %arg3[%mul3A_238] : memref<100000xi32, #tpu.memory_space<hbm>> -> memref<128xi32, #tpu.memory_space<hbm>>
        tpu.enqueue_dma source(%dma_start3A_246 : memref<128xi32, #tpu.memory_space<hbm>>) target(%dma_start3A_245 : memref<128xi32, #tpu.memory_space<vmem>>) target_semaphore(%arg19 : memref<!tpu.dma_semaphore, #tpu.memory_space<semaphore_mem>>)
        %dma_start3A_247 = arith.constant 0 : i32
        %dma_start3A_248 = tpu.memref_slice %arg2[%mul3A_238, %dma_start3A_247] : memref<100000x128xf32, #tpu.memory_space<hbm>> -> memref<128x128xf32, #tpu.memory_space<hbm>>
        %dma_start3A_249 = arith.constant 0 : i32
        %dma_start3A_250 = tpu.memref_slice %arg2[%mul3A_238, %dma_start3A_249] : memref<100000x128xf32, #tpu.memory_space<hbm>> -> memref<128x128xf32, #tpu.memory_space<hbm>>
        tpu.enqueue_dma source(%dma_start3A_250 : memref<128x128xf32, #tpu.memory_space<hbm>>) target(%arg12 : memref<128x128xf32, #tpu.memory_space<vmem>>) target_semaphore(%arg19 : memref<!tpu.dma_semaphore, #tpu.memory_space<semaphore_mem>>)
      } else {
      }
      %mul3A_78 = arith.constant 4 : i32
      %mul3A_79 = arith.muli %mul3A_78, %scan3A_27 : i32
      %add3A_80 = arith.constant 1 : i32
      %add3A_81 = arith.addi %mul3A_79, %add3A_80 : i32
      %sub3A_82 = arith.constant 2 : i32
      %sub3A_83 = arith.subi %add3A_81, %sub3A_82 : i32
      %ge3A_84 = arith.constant 0 : i32
      %ge3A_85 = arith.cmpi sge, %sub3A_83, %ge3A_84 : i32
      %mul3A_86 = arith.constant 32 : i32
      %mul3A_87 = arith.muli %mul3A_86, %sub3A_83 : i32
      %add3A_88 = arith.addi %add3A, %mul3A_87 : i32
      %lt3A_89 = arith.constant 781 : i32
      %lt3A_90 = arith.cmpi slt, %add3A_88, %lt3A_89 : i32
      %and3A_91 = arith.andi %ge3A_85, %lt3A_90 : i1
      %convert_element_type3A_92 = arith.extui %and3A_91 : i1 to i32
      %cond3A_93 = arith.constant 0 : i32
      %cond3A_94 = arith.cmpi ne, %convert_element_type3A_92, %cond3A_93 : i32
      scf.if %cond3A_94 {
        %dma_wait3A = arith.constant 3 : i32
        %dma_wait3A_234 = arith.constant 0 : i32
        %dma_wait3A_235 = tpu.memref_slice %arg9[%dma_wait3A, %dma_wait3A_234] : memref<4x128xi32, #tpu.memory_space<vmem>> -> memref<1x128xi32, #tpu.memory_space<vmem>>
        %dma_wait3A_236 = tpu.memref_squeeze %dma_wait3A_235 : memref<1x128xi32, #tpu.memory_space<vmem>> -> memref<128xi32, #tpu.memory_space<vmem>>
        %dma_wait3A_237 = arith.constant 0 : i32
        %dma_wait3A_238 = arith.constant 0 : i32
        %dma_wait3A_239 = tpu.memref_slice %arg25[%dma_wait3A_237, %dma_wait3A_238] : memref<1024x128xf32, #tpu.memory_space<vmem_shared>> -> memref<1024x128xf32, #tpu.memory_space<vmem_shared>>
        tpu.wait_indirect_dma semaphore(%arg24 : memref<!tpu.dma_semaphore, #tpu.memory_space<semaphore_mem>>) src(%arg13 : memref<128x128xf32, #tpu.memory_space<vmem>>) dst(%dma_wait3A_239 : memref<1024x128xf32, #tpu.memory_space<vmem_shared>>)
        %dma_wait3A_240 = arith.constant 3 : i32
        %dma_wait3A_241 = arith.constant 0 : i32
        %dma_wait3A_242 = tpu.memref_slice %arg9[%dma_wait3A_240, %dma_wait3A_241] : memref<4x128xi32, #tpu.memory_space<vmem>> -> memref<1x128xi32, #tpu.memory_space<vmem>>
        %dma_wait3A_243 = tpu.memref_squeeze %dma_wait3A_242 : memref<1x128xi32, #tpu.memory_space<vmem>> -> memref<128xi32, #tpu.memory_space<vmem>>
        %dma_wait3A_244 = arith.constant 0 : i32
        %dma_wait3A_245 = arith.constant 0 : i32
        %dma_wait3A_246 = tpu.memref_slice %arg26[%dma_wait3A_244, %dma_wait3A_245] : memref<1024x16xf32, #tpu.memory_space<vmem_shared>> -> memref<1024x16xf32, #tpu.memory_space<vmem_shared>>
        tpu.wait_indirect_dma semaphore(%arg24 : memref<!tpu.dma_semaphore, #tpu.memory_space<semaphore_mem>>) src(%arg14 : memref<128x16xf32, #tpu.memory_space<vmem>>) dst(%dma_wait3A_246 : memref<1024x16xf32, #tpu.memory_space<vmem_shared>>)
      } else {
      }
      %ge3A_95 = arith.constant 0 : i32
      %ge3A_96 = arith.cmpi sge, %add3A_81, %ge3A_95 : i32
      %mul3A_97 = arith.constant 32 : i32
      %mul3A_98 = arith.muli %mul3A_97, %add3A_81 : i32
      %add3A_99 = arith.addi %add3A, %mul3A_98 : i32
      %lt3A_100 = arith.constant 781 : i32
      %lt3A_101 = arith.cmpi slt, %add3A_99, %lt3A_100 : i32
      %and3A_102 = arith.andi %ge3A_96, %lt3A_101 : i1
      %convert_element_type3A_103 = arith.extui %and3A_102 : i1 to i32
      %cond3A_104 = arith.constant 0 : i32
      %cond3A_105 = arith.cmpi ne, %convert_element_type3A_103, %cond3A_104 : i32
      scf.if %cond3A_105 {
        %mul3A_234 = arith.constant 32 : i32
        %mul3A_235 = arith.muli %mul3A_234, %add3A_81 : i32
        %add3A_236 = arith.addi %add3A, %mul3A_235 : i32
        %mul3A_237 = arith.constant 128 : i32
        %mul3A_238 = arith.muli %add3A_236, %mul3A_237 : i32
        %dma_wait3A = arith.constant 1 : i32
        %dma_wait3A_239 = arith.constant 0 : i32
        %dma_wait3A_240 = tpu.memref_slice %arg9[%dma_wait3A, %dma_wait3A_239] : memref<4x128xi32, #tpu.memory_space<vmem>> -> memref<1x128xi32, #tpu.memory_space<vmem>>
        %dma_wait3A_241 = tpu.memref_squeeze %dma_wait3A_240 : memref<1x128xi32, #tpu.memory_space<vmem>> -> memref<128xi32, #tpu.memory_space<vmem>>
        %dma_wait3A_242 = tpu.memref_slice %arg3[%mul3A_238] : memref<100000xi32, #tpu.memory_space<hbm>> -> memref<128xi32, #tpu.memory_space<hbm>>
        %dma_wait3A_243 = arith.constant 0 : i32
        %dma_wait3A_244 = tpu.memref_slice %arg9[%dma_wait3A, %dma_wait3A_243] : memref<4x128xi32, #tpu.memory_space<vmem>> -> memref<1x128xi32, #tpu.memory_space<vmem>>
        %dma_wait3A_245 = tpu.memref_squeeze %dma_wait3A_244 : memref<1x128xi32, #tpu.memory_space<vmem>> -> memref<128xi32, #tpu.memory_space<vmem>>
        %dma_wait3A_246 = tpu.memref_slice %arg3[%mul3A_238] : memref<100000xi32, #tpu.memory_space<hbm>> -> memref<128xi32, #tpu.memory_space<hbm>>
        tpu.wait_dma2 semaphore(%arg18 : memref<!tpu.dma_semaphore, #tpu.memory_space<semaphore_mem>>) src(%dma_wait3A_246 : memref<128xi32, #tpu.memory_space<hbm>>) dst(%dma_wait3A_245 : memref<128xi32, #tpu.memory_space<vmem>>)
        %dma_wait3A_247 = arith.constant 0 : i32
        %dma_wait3A_248 = tpu.memref_slice %arg2[%mul3A_238, %dma_wait3A_247] : memref<100000x128xf32, #tpu.memory_space<hbm>> -> memref<128x128xf32, #tpu.memory_space<hbm>>
        %dma_wait3A_249 = arith.constant 0 : i32
        %dma_wait3A_250 = tpu.memref_slice %arg2[%mul3A_238, %dma_wait3A_249] : memref<100000x128xf32, #tpu.memory_space<hbm>> -> memref<128x128xf32, #tpu.memory_space<hbm>>
        tpu.wait_dma2 semaphore(%arg18 : memref<!tpu.dma_semaphore, #tpu.memory_space<semaphore_mem>>) src(%dma_wait3A_250 : memref<128x128xf32, #tpu.memory_space<hbm>>) dst(%arg11 : memref<128x128xf32, #tpu.memory_space<vmem>>)
      } else {
      }
      %ge3A_106 = arith.constant 0 : i32
      %ge3A_107 = arith.cmpi sge, %add3A_81, %ge3A_106 : i32
      %mul3A_108 = arith.constant 32 : i32
      %mul3A_109 = arith.muli %mul3A_108, %add3A_81 : i32
      %add3A_110 = arith.addi %add3A, %mul3A_109 : i32
      %lt3A_111 = arith.constant 781 : i32
      %lt3A_112 = arith.cmpi slt, %add3A_110, %lt3A_111 : i32
      %and3A_113 = arith.andi %ge3A_107, %lt3A_112 : i1
      %convert_element_type3A_114 = arith.extui %and3A_113 : i1 to i32
      %cond3A_115 = arith.constant 0 : i32
      %cond3A_116 = arith.cmpi ne, %convert_element_type3A_114, %cond3A_115 : i32
      scf.if %cond3A_116 {
        %dma_start3A = arith.constant 1 : i32
        %dma_start3A_234 = arith.constant 0 : i32
        %dma_start3A_235 = tpu.memref_slice %arg9[%dma_start3A, %dma_start3A_234] : memref<4x128xi32, #tpu.memory_space<vmem>> -> memref<1x128xi32, #tpu.memory_space<vmem>>
        %dma_start3A_236 = tpu.memref_squeeze %dma_start3A_235 : memref<1x128xi32, #tpu.memory_space<vmem>> -> memref<128xi32, #tpu.memory_space<vmem>>
        %dma_start3A_237 = arith.constant 0 : i32
        %dma_start3A_238 = arith.constant 0 : i32
        %dma_start3A_239 = tpu.memref_slice %arg25[%dma_start3A_237, %dma_start3A_238] : memref<1024x128xf32, #tpu.memory_space<vmem_shared>> -> memref<1024x128xf32, #tpu.memory_space<vmem_shared>>
        tpu.enqueue_indirect_dma source(%arg11 : memref<128x128xf32, #tpu.memory_space<vmem>>) target(%dma_start3A_239 : memref<1024x128xf32, #tpu.memory_space<vmem_shared>>) offsets(%dma_start3A_236 : memref<128xi32, #tpu.memory_space<vmem>>) semaphore(%arg22 : memref<!tpu.dma_semaphore, #tpu.memory_space<semaphore_mem>>) {add = true}
        %dma_start3A_240 = arith.constant 1 : i32
        %dma_start3A_241 = arith.constant 0 : i32
        %dma_start3A_242 = tpu.memref_slice %arg9[%dma_start3A_240, %dma_start3A_241] : memref<4x128xi32, #tpu.memory_space<vmem>> -> memref<1x128xi32, #tpu.memory_space<vmem>>
        %dma_start3A_243 = tpu.memref_squeeze %dma_start3A_242 : memref<1x128xi32, #tpu.memory_space<vmem>> -> memref<128xi32, #tpu.memory_space<vmem>>
        %dma_start3A_244 = arith.constant 0 : i32
        %dma_start3A_245 = arith.constant 0 : i32
        %dma_start3A_246 = tpu.memref_slice %arg26[%dma_start3A_244, %dma_start3A_245] : memref<1024x16xf32, #tpu.memory_space<vmem_shared>> -> memref<1024x16xf32, #tpu.memory_space<vmem_shared>>
        tpu.enqueue_indirect_dma source(%arg14 : memref<128x16xf32, #tpu.memory_space<vmem>>) target(%dma_start3A_246 : memref<1024x16xf32, #tpu.memory_space<vmem_shared>>) offsets(%dma_start3A_243 : memref<128xi32, #tpu.memory_space<vmem>>) semaphore(%arg22 : memref<!tpu.dma_semaphore, #tpu.memory_space<semaphore_mem>>) {add = true}
      } else {
      }
      %add3A_117 = arith.constant 2 : i32
      %add3A_118 = arith.addi %add3A_81, %add3A_117 : i32
      %ge3A_119 = arith.constant 0 : i32
      %ge3A_120 = arith.cmpi sge, %add3A_118, %ge3A_119 : i32
      %mul3A_121 = arith.constant 32 : i32
      %mul3A_122 = arith.muli %mul3A_121, %add3A_118 : i32
      %add3A_123 = arith.addi %add3A, %mul3A_122 : i32
      %lt3A_124 = arith.constant 781 : i32
      %lt3A_125 = arith.cmpi slt, %add3A_123, %lt3A_124 : i32
      %and3A_126 = arith.andi %ge3A_120, %lt3A_125 : i1
      %convert_element_type3A_127 = arith.extui %and3A_126 : i1 to i32
      %cond3A_128 = arith.constant 0 : i32
      %cond3A_129 = arith.cmpi ne, %convert_element_type3A_127, %cond3A_128 : i32
      scf.if %cond3A_129 {
        %mul3A_234 = arith.constant 32 : i32
        %mul3A_235 = arith.muli %mul3A_234, %add3A_118 : i32
        %add3A_236 = arith.addi %add3A, %mul3A_235 : i32
        %mul3A_237 = arith.constant 128 : i32
        %mul3A_238 = arith.muli %add3A_236, %mul3A_237 : i32
        %dma_start3A = arith.constant 3 : i32
        %dma_start3A_239 = arith.constant 0 : i32
        %dma_start3A_240 = tpu.memref_slice %arg9[%dma_start3A, %dma_start3A_239] : memref<4x128xi32, #tpu.memory_space<vmem>> -> memref<1x128xi32, #tpu.memory_space<vmem>>
        %dma_start3A_241 = tpu.memref_squeeze %dma_start3A_240 : memref<1x128xi32, #tpu.memory_space<vmem>> -> memref<128xi32, #tpu.memory_space<vmem>>
        %dma_start3A_242 = tpu.memref_slice %arg3[%mul3A_238] : memref<100000xi32, #tpu.memory_space<hbm>> -> memref<128xi32, #tpu.memory_space<hbm>>
        %dma_start3A_243 = arith.constant 0 : i32
        %dma_start3A_244 = tpu.memref_slice %arg9[%dma_start3A, %dma_start3A_243] : memref<4x128xi32, #tpu.memory_space<vmem>> -> memref<1x128xi32, #tpu.memory_space<vmem>>
        %dma_start3A_245 = tpu.memref_squeeze %dma_start3A_244 : memref<1x128xi32, #tpu.memory_space<vmem>> -> memref<128xi32, #tpu.memory_space<vmem>>
        %dma_start3A_246 = tpu.memref_slice %arg3[%mul3A_238] : memref<100000xi32, #tpu.memory_space<hbm>> -> memref<128xi32, #tpu.memory_space<hbm>>
        tpu.enqueue_dma source(%dma_start3A_246 : memref<128xi32, #tpu.memory_space<hbm>>) target(%dma_start3A_245 : memref<128xi32, #tpu.memory_space<vmem>>) target_semaphore(%arg20 : memref<!tpu.dma_semaphore, #tpu.memory_space<semaphore_mem>>)
        %dma_start3A_247 = arith.constant 0 : i32
        %dma_start3A_248 = tpu.memref_slice %arg2[%mul3A_238, %dma_start3A_247] : memref<100000x128xf32, #tpu.memory_space<hbm>> -> memref<128x128xf32, #tpu.memory_space<hbm>>
        %dma_start3A_249 = arith.constant 0 : i32
        %dma_start3A_250 = tpu.memref_slice %arg2[%mul3A_238, %dma_start3A_249] : memref<100000x128xf32, #tpu.memory_space<hbm>> -> memref<128x128xf32, #tpu.memory_space<hbm>>
        tpu.enqueue_dma source(%dma_start3A_250 : memref<128x128xf32, #tpu.memory_space<hbm>>) target(%arg13 : memref<128x128xf32, #tpu.memory_space<vmem>>) target_semaphore(%arg20 : memref<!tpu.dma_semaphore, #tpu.memory_space<semaphore_mem>>)
      } else {
      }
      %mul3A_130 = arith.constant 4 : i32
      %mul3A_131 = arith.muli %mul3A_130, %scan3A_27 : i32
      %add3A_132 = arith.constant 2 : i32
      %add3A_133 = arith.addi %mul3A_131, %add3A_132 : i32
      %sub3A_134 = arith.constant 2 : i32
      %sub3A_135 = arith.subi %add3A_133, %sub3A_134 : i32
      %ge3A_136 = arith.constant 0 : i32
      %ge3A_137 = arith.cmpi sge, %sub3A_135, %ge3A_136 : i32
      %mul3A_138 = arith.constant 32 : i32
      %mul3A_139 = arith.muli %mul3A_138, %sub3A_135 : i32
      %add3A_140 = arith.addi %add3A, %mul3A_139 : i32
      %lt3A_141 = arith.constant 781 : i32
      %lt3A_142 = arith.cmpi slt, %add3A_140, %lt3A_141 : i32
      %and3A_143 = arith.andi %ge3A_137, %lt3A_142 : i1
      %convert_element_type3A_144 = arith.extui %and3A_143 : i1 to i32
      %cond3A_145 = arith.constant 0 : i32
      %cond3A_146 = arith.cmpi ne, %convert_element_type3A_144, %cond3A_145 : i32
      scf.if %cond3A_146 {
        %dma_wait3A = arith.constant 0 : i32
        %dma_wait3A_234 = arith.constant 0 : i32
        %dma_wait3A_235 = tpu.memref_slice %arg9[%dma_wait3A, %dma_wait3A_234] : memref<4x128xi32, #tpu.memory_space<vmem>> -> memref<1x128xi32, #tpu.memory_space<vmem>>
        %dma_wait3A_236 = tpu.memref_squeeze %dma_wait3A_235 : memref<1x128xi32, #tpu.memory_space<vmem>> -> memref<128xi32, #tpu.memory_space<vmem>>
        %dma_wait3A_237 = arith.constant 0 : i32
        %dma_wait3A_238 = arith.constant 0 : i32
        %dma_wait3A_239 = tpu.memref_slice %arg25[%dma_wait3A_237, %dma_wait3A_238] : memref<1024x128xf32, #tpu.memory_space<vmem_shared>> -> memref<1024x128xf32, #tpu.memory_space<vmem_shared>>
        tpu.wait_indirect_dma semaphore(%arg21 : memref<!tpu.dma_semaphore, #tpu.memory_space<semaphore_mem>>) src(%arg10 : memref<128x128xf32, #tpu.memory_space<vmem>>) dst(%dma_wait3A_239 : memref<1024x128xf32, #tpu.memory_space<vmem_shared>>)
        %dma_wait3A_240 = arith.constant 0 : i32
        %dma_wait3A_241 = arith.constant 0 : i32
        %dma_wait3A_242 = tpu.memref_slice %arg9[%dma_wait3A_240, %dma_wait3A_241] : memref<4x128xi32, #tpu.memory_space<vmem>> -> memref<1x128xi32, #tpu.memory_space<vmem>>
        %dma_wait3A_243 = tpu.memref_squeeze %dma_wait3A_242 : memref<1x128xi32, #tpu.memory_space<vmem>> -> memref<128xi32, #tpu.memory_space<vmem>>
        %dma_wait3A_244 = arith.constant 0 : i32
        %dma_wait3A_245 = arith.constant 0 : i32
        %dma_wait3A_246 = tpu.memref_slice %arg26[%dma_wait3A_244, %dma_wait3A_245] : memref<1024x16xf32, #tpu.memory_space<vmem_shared>> -> memref<1024x16xf32, #tpu.memory_space<vmem_shared>>
        tpu.wait_indirect_dma semaphore(%arg21 : memref<!tpu.dma_semaphore, #tpu.memory_space<semaphore_mem>>) src(%arg14 : memref<128x16xf32, #tpu.memory_space<vmem>>) dst(%dma_wait3A_246 : memref<1024x16xf32, #tpu.memory_space<vmem_shared>>)
      } else {
      }
      %ge3A_147 = arith.constant 0 : i32
      %ge3A_148 = arith.cmpi sge, %add3A_133, %ge3A_147 : i32
      %mul3A_149 = arith.constant 32 : i32
      %mul3A_150 = arith.muli %mul3A_149, %add3A_133 : i32
      %add3A_151 = arith.addi %add3A, %mul3A_150 : i32
      %lt3A_152 = arith.constant 781 : i32
      %lt3A_153 = arith.cmpi slt, %add3A_151, %lt3A_152 : i32
      %and3A_154 = arith.andi %ge3A_148, %lt3A_153 : i1
      %convert_element_type3A_155 = arith.extui %and3A_154 : i1 to i32
      %cond3A_156 = arith.constant 0 : i32
      %cond3A_157 = arith.cmpi ne, %convert_element_type3A_155, %cond3A_156 : i32
      scf.if %cond3A_157 {
        %mul3A_234 = arith.constant 32 : i32
        %mul3A_235 = arith.muli %mul3A_234, %add3A_133 : i32
        %add3A_236 = arith.addi %add3A, %mul3A_235 : i32
        %mul3A_237 = arith.constant 128 : i32
        %mul3A_238 = arith.muli %add3A_236, %mul3A_237 : i32
        %dma_wait3A = arith.constant 2 : i32
        %dma_wait3A_239 = arith.constant 0 : i32
        %dma_wait3A_240 = tpu.memref_slice %arg9[%dma_wait3A, %dma_wait3A_239] : memref<4x128xi32, #tpu.memory_space<vmem>> -> memref<1x128xi32, #tpu.memory_space<vmem>>
        %dma_wait3A_241 = tpu.memref_squeeze %dma_wait3A_240 : memref<1x128xi32, #tpu.memory_space<vmem>> -> memref<128xi32, #tpu.memory_space<vmem>>
        %dma_wait3A_242 = tpu.memref_slice %arg3[%mul3A_238] : memref<100000xi32, #tpu.memory_space<hbm>> -> memref<128xi32, #tpu.memory_space<hbm>>
        %dma_wait3A_243 = arith.constant 0 : i32
        %dma_wait3A_244 = tpu.memref_slice %arg9[%dma_wait3A, %dma_wait3A_243] : memref<4x128xi32, #tpu.memory_space<vmem>> -> memref<1x128xi32, #tpu.memory_space<vmem>>
        %dma_wait3A_245 = tpu.memref_squeeze %dma_wait3A_244 : memref<1x128xi32, #tpu.memory_space<vmem>> -> memref<128xi32, #tpu.memory_space<vmem>>
        %dma_wait3A_246 = tpu.memref_slice %arg3[%mul3A_238] : memref<100000xi32, #tpu.memory_space<hbm>> -> memref<128xi32, #tpu.memory_space<hbm>>
        tpu.wait_dma2 semaphore(%arg19 : memref<!tpu.dma_semaphore, #tpu.memory_space<semaphore_mem>>) src(%dma_wait3A_246 : memref<128xi32, #tpu.memory_space<hbm>>) dst(%dma_wait3A_245 : memref<128xi32, #tpu.memory_space<vmem>>)
        %dma_wait3A_247 = arith.constant 0 : i32
        %dma_wait3A_248 = tpu.memref_slice %arg2[%mul3A_238, %dma_wait3A_247] : memref<100000x128xf32, #tpu.memory_space<hbm>> -> memref<128x128xf32, #tpu.memory_space<hbm>>
        %dma_wait3A_249 = arith.constant 0 : i32
        %dma_wait3A_250 = tpu.memref_slice %arg2[%mul3A_238, %dma_wait3A_249] : memref<100000x128xf32, #tpu.memory_space<hbm>> -> memref<128x128xf32, #tpu.memory_space<hbm>>
        tpu.wait_dma2 semaphore(%arg19 : memref<!tpu.dma_semaphore, #tpu.memory_space<semaphore_mem>>) src(%dma_wait3A_250 : memref<128x128xf32, #tpu.memory_space<hbm>>) dst(%arg12 : memref<128x128xf32, #tpu.memory_space<vmem>>)
      } else {
      }
      %ge3A_158 = arith.constant 0 : i32
      %ge3A_159 = arith.cmpi sge, %add3A_133, %ge3A_158 : i32
      %mul3A_160 = arith.constant 32 : i32
      %mul3A_161 = arith.muli %mul3A_160, %add3A_133 : i32
      %add3A_162 = arith.addi %add3A, %mul3A_161 : i32
      %lt3A_163 = arith.constant 781 : i32
      %lt3A_164 = arith.cmpi slt, %add3A_162, %lt3A_163 : i32
      %and3A_165 = arith.andi %ge3A_159, %lt3A_164 : i1
      %convert_element_type3A_166 = arith.extui %and3A_165 : i1 to i32
      %cond3A_167 = arith.constant 0 : i32
      %cond3A_168 = arith.cmpi ne, %convert_element_type3A_166, %cond3A_167 : i32
      scf.if %cond3A_168 {
        %dma_start3A = arith.constant 2 : i32
        %dma_start3A_234 = arith.constant 0 : i32
        %dma_start3A_235 = tpu.memref_slice %arg9[%dma_start3A, %dma_start3A_234] : memref<4x128xi32, #tpu.memory_space<vmem>> -> memref<1x128xi32, #tpu.memory_space<vmem>>
        %dma_start3A_236 = tpu.memref_squeeze %dma_start3A_235 : memref<1x128xi32, #tpu.memory_space<vmem>> -> memref<128xi32, #tpu.memory_space<vmem>>
        %dma_start3A_237 = arith.constant 0 : i32
        %dma_start3A_238 = arith.constant 0 : i32
        %dma_start3A_239 = tpu.memref_slice %arg25[%dma_start3A_237, %dma_start3A_238] : memref<1024x128xf32, #tpu.memory_space<vmem_shared>> -> memref<1024x128xf32, #tpu.memory_space<vmem_shared>>
        tpu.enqueue_indirect_dma source(%arg12 : memref<128x128xf32, #tpu.memory_space<vmem>>) target(%dma_start3A_239 : memref<1024x128xf32, #tpu.memory_space<vmem_shared>>) offsets(%dma_start3A_236 : memref<128xi32, #tpu.memory_space<vmem>>) semaphore(%arg23 : memref<!tpu.dma_semaphore, #tpu.memory_space<semaphore_mem>>) {add = true}
        %dma_start3A_240 = arith.constant 2 : i32
        %dma_start3A_241 = arith.constant 0 : i32
        %dma_start3A_242 = tpu.memref_slice %arg9[%dma_start3A_240, %dma_start3A_241] : memref<4x128xi32, #tpu.memory_space<vmem>> -> memref<1x128xi32, #tpu.memory_space<vmem>>
        %dma_start3A_243 = tpu.memref_squeeze %dma_start3A_242 : memref<1x128xi32, #tpu.memory_space<vmem>> -> memref<128xi32, #tpu.memory_space<vmem>>
        %dma_start3A_244 = arith.constant 0 : i32
        %dma_start3A_245 = arith.constant 0 : i32
        %dma_start3A_246 = tpu.memref_slice %arg26[%dma_start3A_244, %dma_start3A_245] : memref<1024x16xf32, #tpu.memory_space<vmem_shared>> -> memref<1024x16xf32, #tpu.memory_space<vmem_shared>>
        tpu.enqueue_indirect_dma source(%arg14 : memref<128x16xf32, #tpu.memory_space<vmem>>) target(%dma_start3A_246 : memref<1024x16xf32, #tpu.memory_space<vmem_shared>>) offsets(%dma_start3A_243 : memref<128xi32, #tpu.memory_space<vmem>>) semaphore(%arg23 : memref<!tpu.dma_semaphore, #tpu.memory_space<semaphore_mem>>) {add = true}
      } else {
      }
      %add3A_169 = arith.constant 2 : i32
      %add3A_170 = arith.addi %add3A_133, %add3A_169 : i32
      %ge3A_171 = arith.constant 0 : i32
      %ge3A_172 = arith.cmpi sge, %add3A_170, %ge3A_171 : i32
      %mul3A_173 = arith.constant 32 : i32
      %mul3A_174 = arith.muli %mul3A_173, %add3A_170 : i32
      %add3A_175 = arith.addi %add3A, %mul3A_174 : i32
      %lt3A_176 = arith.constant 781 : i32
      %lt3A_177 = arith.cmpi slt, %add3A_175, %lt3A_176 : i32
      %and3A_178 = arith.andi %ge3A_172, %lt3A_177 : i1
      %convert_element_type3A_179 = arith.extui %and3A_178 : i1 to i32
      %cond3A_180 = arith.constant 0 : i32
      %cond3A_181 = arith.cmpi ne, %convert_element_type3A_179, %cond3A_180 : i32
      scf.if %cond3A_181 {
        %mul3A_234 = arith.constant 32 : i32
        %mul3A_235 = arith.muli %mul3A_234, %add3A_170 : i32
        %add3A_236 = arith.addi %add3A, %mul3A_235 : i32
        %mul3A_237 = arith.constant 128 : i32
        %mul3A_238 = arith.muli %add3A_236, %mul3A_237 : i32
        %dma_start3A = arith.constant 0 : i32
        %dma_start3A_239 = arith.constant 0 : i32
        %dma_start3A_240 = tpu.memref_slice %arg9[%dma_start3A, %dma_start3A_239] : memref<4x128xi32, #tpu.memory_space<vmem>> -> memref<1x128xi32, #tpu.memory_space<vmem>>
        %dma_start3A_241 = tpu.memref_squeeze %dma_start3A_240 : memref<1x128xi32, #tpu.memory_space<vmem>> -> memref<128xi32, #tpu.memory_space<vmem>>
        %dma_start3A_242 = tpu.memref_slice %arg3[%mul3A_238] : memref<100000xi32, #tpu.memory_space<hbm>> -> memref<128xi32, #tpu.memory_space<hbm>>
        %dma_start3A_243 = arith.constant 0 : i32
        %dma_start3A_244 = tpu.memref_slice %arg9[%dma_start3A, %dma_start3A_243] : memref<4x128xi32, #tpu.memory_space<vmem>> -> memref<1x128xi32, #tpu.memory_space<vmem>>
        %dma_start3A_245 = tpu.memref_squeeze %dma_start3A_244 : memref<1x128xi32, #tpu.memory_space<vmem>> -> memref<128xi32, #tpu.memory_space<vmem>>
        %dma_start3A_246 = tpu.memref_slice %arg3[%mul3A_238] : memref<100000xi32, #tpu.memory_space<hbm>> -> memref<128xi32, #tpu.memory_space<hbm>>
        tpu.enqueue_dma source(%dma_start3A_246 : memref<128xi32, #tpu.memory_space<hbm>>) target(%dma_start3A_245 : memref<128xi32, #tpu.memory_space<vmem>>) target_semaphore(%arg17 : memref<!tpu.dma_semaphore, #tpu.memory_space<semaphore_mem>>)
        %dma_start3A_247 = arith.constant 0 : i32
        %dma_start3A_248 = tpu.memref_slice %arg2[%mul3A_238, %dma_start3A_247] : memref<100000x128xf32, #tpu.memory_space<hbm>> -> memref<128x128xf32, #tpu.memory_space<hbm>>
        %dma_start3A_249 = arith.constant 0 : i32
        %dma_start3A_250 = tpu.memref_slice %arg2[%mul3A_238, %dma_start3A_249] : memref<100000x128xf32, #tpu.memory_space<hbm>> -> memref<128x128xf32, #tpu.memory_space<hbm>>
        tpu.enqueue_dma source(%dma_start3A_250 : memref<128x128xf32, #tpu.memory_space<hbm>>) target(%arg10 : memref<128x128xf32, #tpu.memory_space<vmem>>) target_semaphore(%arg17 : memref<!tpu.dma_semaphore, #tpu.memory_space<semaphore_mem>>)
      } else {
      }
      %mul3A_182 = arith.constant 4 : i32
      %mul3A_183 = arith.muli %mul3A_182, %scan3A_27 : i32
      %add3A_184 = arith.constant 3 : i32
      %add3A_185 = arith.addi %mul3A_183, %add3A_184 : i32
      %sub3A_186 = arith.constant 2 : i32
      %sub3A_187 = arith.subi %add3A_185, %sub3A_186 : i32
      %ge3A_188 = arith.constant 0 : i32
      %ge3A_189 = arith.cmpi sge, %sub3A_187, %ge3A_188 : i32
      %mul3A_190 = arith.constant 32 : i32
      %mul3A_191 = arith.muli %mul3A_190, %sub3A_187 : i32
      %add3A_192 = arith.addi %add3A, %mul3A_191 : i32
      %lt3A_193 = arith.constant 781 : i32
      %lt3A_194 = arith.cmpi slt, %add3A_192, %lt3A_193 : i32
      %and3A_195 = arith.andi %ge3A_189, %lt3A_194 : i1
      %convert_element_type3A_196 = arith.extui %and3A_195 : i1 to i32
      %cond3A_197 = arith.constant 0 : i32
      %cond3A_198 = arith.cmpi ne, %convert_element_type3A_196, %cond3A_197 : i32
      scf.if %cond3A_198 {
        %dma_wait3A = arith.constant 1 : i32
        %dma_wait3A_234 = arith.constant 0 : i32
        %dma_wait3A_235 = tpu.memref_slice %arg9[%dma_wait3A, %dma_wait3A_234] : memref<4x128xi32, #tpu.memory_space<vmem>> -> memref<1x128xi32, #tpu.memory_space<vmem>>
        %dma_wait3A_236 = tpu.memref_squeeze %dma_wait3A_235 : memref<1x128xi32, #tpu.memory_space<vmem>> -> memref<128xi32, #tpu.memory_space<vmem>>
        %dma_wait3A_237 = arith.constant 0 : i32
        %dma_wait3A_238 = arith.constant 0 : i32
        %dma_wait3A_239 = tpu.memref_slice %arg25[%dma_wait3A_237, %dma_wait3A_238] : memref<1024x128xf32, #tpu.memory_space<vmem_shared>> -> memref<1024x128xf32, #tpu.memory_space<vmem_shared>>
        tpu.wait_indirect_dma semaphore(%arg22 : memref<!tpu.dma_semaphore, #tpu.memory_space<semaphore_mem>>) src(%arg11 : memref<128x128xf32, #tpu.memory_space<vmem>>) dst(%dma_wait3A_239 : memref<1024x128xf32, #tpu.memory_space<vmem_shared>>)
        %dma_wait3A_240 = arith.constant 1 : i32
        %dma_wait3A_241 = arith.constant 0 : i32
        %dma_wait3A_242 = tpu.memref_slice %arg9[%dma_wait3A_240, %dma_wait3A_241] : memref<4x128xi32, #tpu.memory_space<vmem>> -> memref<1x128xi32, #tpu.memory_space<vmem>>
        %dma_wait3A_243 = tpu.memref_squeeze %dma_wait3A_242 : memref<1x128xi32, #tpu.memory_space<vmem>> -> memref<128xi32, #tpu.memory_space<vmem>>
        %dma_wait3A_244 = arith.constant 0 : i32
        %dma_wait3A_245 = arith.constant 0 : i32
        %dma_wait3A_246 = tpu.memref_slice %arg26[%dma_wait3A_244, %dma_wait3A_245] : memref<1024x16xf32, #tpu.memory_space<vmem_shared>> -> memref<1024x16xf32, #tpu.memory_space<vmem_shared>>
        tpu.wait_indirect_dma semaphore(%arg22 : memref<!tpu.dma_semaphore, #tpu.memory_space<semaphore_mem>>) src(%arg14 : memref<128x16xf32, #tpu.memory_space<vmem>>) dst(%dma_wait3A_246 : memref<1024x16xf32, #tpu.memory_space<vmem_shared>>)
      } else {
      }
      %ge3A_199 = arith.constant 0 : i32
      %ge3A_200 = arith.cmpi sge, %add3A_185, %ge3A_199 : i32
      %mul3A_201 = arith.constant 32 : i32
      %mul3A_202 = arith.muli %mul3A_201, %add3A_185 : i32
      %add3A_203 = arith.addi %add3A, %mul3A_202 : i32
      %lt3A_204 = arith.constant 781 : i32
      %lt3A_205 = arith.cmpi slt, %add3A_203, %lt3A_204 : i32
      %and3A_206 = arith.andi %ge3A_200, %lt3A_205 : i1
      %convert_element_type3A_207 = arith.extui %and3A_206 : i1 to i32
      %cond3A_208 = arith.constant 0 : i32
      %cond3A_209 = arith.cmpi ne, %convert_element_type3A_207, %cond3A_208 : i32
      scf.if %cond3A_209 {
        %mul3A_234 = arith.constant 32 : i32
        %mul3A_235 = arith.muli %mul3A_234, %add3A_185 : i32
        %add3A_236 = arith.addi %add3A, %mul3A_235 : i32
        %mul3A_237 = arith.constant 128 : i32
        %mul3A_238 = arith.muli %add3A_236, %mul3A_237 : i32
        %dma_wait3A = arith.constant 3 : i32
        %dma_wait3A_239 = arith.constant 0 : i32
        %dma_wait3A_240 = tpu.memref_slice %arg9[%dma_wait3A, %dma_wait3A_239] : memref<4x128xi32, #tpu.memory_space<vmem>> -> memref<1x128xi32, #tpu.memory_space<vmem>>
        %dma_wait3A_241 = tpu.memref_squeeze %dma_wait3A_240 : memref<1x128xi32, #tpu.memory_space<vmem>> -> memref<128xi32, #tpu.memory_space<vmem>>
        %dma_wait3A_242 = tpu.memref_slice %arg3[%mul3A_238] : memref<100000xi32, #tpu.memory_space<hbm>> -> memref<128xi32, #tpu.memory_space<hbm>>
        %dma_wait3A_243 = arith.constant 0 : i32
        %dma_wait3A_244 = tpu.memref_slice %arg9[%dma_wait3A, %dma_wait3A_243] : memref<4x128xi32, #tpu.memory_space<vmem>> -> memref<1x128xi32, #tpu.memory_space<vmem>>
        %dma_wait3A_245 = tpu.memref_squeeze %dma_wait3A_244 : memref<1x128xi32, #tpu.memory_space<vmem>> -> memref<128xi32, #tpu.memory_space<vmem>>
        %dma_wait3A_246 = tpu.memref_slice %arg3[%mul3A_238] : memref<100000xi32, #tpu.memory_space<hbm>> -> memref<128xi32, #tpu.memory_space<hbm>>
        tpu.wait_dma2 semaphore(%arg20 : memref<!tpu.dma_semaphore, #tpu.memory_space<semaphore_mem>>) src(%dma_wait3A_246 : memref<128xi32, #tpu.memory_space<hbm>>) dst(%dma_wait3A_245 : memref<128xi32, #tpu.memory_space<vmem>>)
        %dma_wait3A_247 = arith.constant 0 : i32
        %dma_wait3A_248 = tpu.memref_slice %arg2[%mul3A_238, %dma_wait3A_247] : memref<100000x128xf32, #tpu.memory_space<hbm>> -> memref<128x128xf32, #tpu.memory_space<hbm>>
        %dma_wait3A_249 = arith.constant 0 : i32
        %dma_wait3A_250 = tpu.memref_slice %arg2[%mul3A_238, %dma_wait3A_249] : memref<100000x128xf32, #tpu.memory_space<hbm>> -> memref<128x128xf32, #tpu.memory_space<hbm>>
        tpu.wait_dma2 semaphore(%arg20 : memref<!tpu.dma_semaphore, #tpu.memory_space<semaphore_mem>>) src(%dma_wait3A_250 : memref<128x128xf32, #tpu.memory_space<hbm>>) dst(%arg13 : memref<128x128xf32, #tpu.memory_space<vmem>>)
      } else {
      }
      %ge3A_210 = arith.constant 0 : i32
      %ge3A_211 = arith.cmpi sge, %add3A_185, %ge3A_210 : i32
      %mul3A_212 = arith.constant 32 : i32
      %mul3A_213 = arith.muli %mul3A_212, %add3A_185 : i32
      %add3A_214 = arith.addi %add3A, %mul3A_213 : i32
      %lt3A_215 = arith.constant 781 : i32
      %lt3A_216 = arith.cmpi slt, %add3A_214, %lt3A_215 : i32
      %and3A_217 = arith.andi %ge3A_211, %lt3A_216 : i1
      %convert_element_type3A_218 = arith.extui %and3A_217 : i1 to i32
      %cond3A_219 = arith.constant 0 : i32
      %cond3A_220 = arith.cmpi ne, %convert_element_type3A_218, %cond3A_219 : i32
      scf.if %cond3A_220 {
        %dma_start3A = arith.constant 3 : i32
        %dma_start3A_234 = arith.constant 0 : i32
        %dma_start3A_235 = tpu.memref_slice %arg9[%dma_start3A, %dma_start3A_234] : memref<4x128xi32, #tpu.memory_space<vmem>> -> memref<1x128xi32, #tpu.memory_space<vmem>>
        %dma_start3A_236 = tpu.memref_squeeze %dma_start3A_235 : memref<1x128xi32, #tpu.memory_space<vmem>> -> memref<128xi32, #tpu.memory_space<vmem>>
        %dma_start3A_237 = arith.constant 0 : i32
        %dma_start3A_238 = arith.constant 0 : i32
        %dma_start3A_239 = tpu.memref_slice %arg25[%dma_start3A_237, %dma_start3A_238] : memref<1024x128xf32, #tpu.memory_space<vmem_shared>> -> memref<1024x128xf32, #tpu.memory_space<vmem_shared>>
        tpu.enqueue_indirect_dma source(%arg13 : memref<128x128xf32, #tpu.memory_space<vmem>>) target(%dma_start3A_239 : memref<1024x128xf32, #tpu.memory_space<vmem_shared>>) offsets(%dma_start3A_236 : memref<128xi32, #tpu.memory_space<vmem>>) semaphore(%arg24 : memref<!tpu.dma_semaphore, #tpu.memory_space<semaphore_mem>>) {add = true}
        %dma_start3A_240 = arith.constant 3 : i32
        %dma_start3A_241 = arith.constant 0 : i32
        %dma_start3A_242 = tpu.memref_slice %arg9[%dma_start3A_240, %dma_start3A_241] : memref<4x128xi32, #tpu.memory_space<vmem>> -> memref<1x128xi32, #tpu.memory_space<vmem>>
        %dma_start3A_243 = tpu.memref_squeeze %dma_start3A_242 : memref<1x128xi32, #tpu.memory_space<vmem>> -> memref<128xi32, #tpu.memory_space<vmem>>
        %dma_start3A_244 = arith.constant 0 : i32
        %dma_start3A_245 = arith.constant 0 : i32
        %dma_start3A_246 = tpu.memref_slice %arg26[%dma_start3A_244, %dma_start3A_245] : memref<1024x16xf32, #tpu.memory_space<vmem_shared>> -> memref<1024x16xf32, #tpu.memory_space<vmem_shared>>
        tpu.enqueue_indirect_dma source(%arg14 : memref<128x16xf32, #tpu.memory_space<vmem>>) target(%dma_start3A_246 : memref<1024x16xf32, #tpu.memory_space<vmem_shared>>) offsets(%dma_start3A_243 : memref<128xi32, #tpu.memory_space<vmem>>) semaphore(%arg24 : memref<!tpu.dma_semaphore, #tpu.memory_space<semaphore_mem>>) {add = true}
      } else {
      }
      %add3A_221 = arith.constant 2 : i32
      %add3A_222 = arith.addi %add3A_185, %add3A_221 : i32
      %ge3A_223 = arith.constant 0 : i32
      %ge3A_224 = arith.cmpi sge, %add3A_222, %ge3A_223 : i32
      %mul3A_225 = arith.constant 32 : i32
      %mul3A_226 = arith.muli %mul3A_225, %add3A_222 : i32
      %add3A_227 = arith.addi %add3A, %mul3A_226 : i32
      %lt3A_228 = arith.constant 781 : i32
      %lt3A_229 = arith.cmpi slt, %add3A_227, %lt3A_228 : i32
      %and3A_230 = arith.andi %ge3A_224, %lt3A_229 : i1
      %convert_element_type3A_231 = arith.extui %and3A_230 : i1 to i32
      %cond3A_232 = arith.constant 0 : i32
      %cond3A_233 = arith.cmpi ne, %convert_element_type3A_231, %cond3A_232 : i32
      scf.if %cond3A_233 {
        %mul3A_234 = arith.constant 32 : i32
        %mul3A_235 = arith.muli %mul3A_234, %add3A_222 : i32
        %add3A_236 = arith.addi %add3A, %mul3A_235 : i32
        %mul3A_237 = arith.constant 128 : i32
        %mul3A_238 = arith.muli %add3A_236, %mul3A_237 : i32
        %dma_start3A = arith.constant 1 : i32
        %dma_start3A_239 = arith.constant 0 : i32
        %dma_start3A_240 = tpu.memref_slice %arg9[%dma_start3A, %dma_start3A_239] : memref<4x128xi32, #tpu.memory_space<vmem>> -> memref<1x128xi32, #tpu.memory_space<vmem>>
        %dma_start3A_241 = tpu.memref_squeeze %dma_start3A_240 : memref<1x128xi32, #tpu.memory_space<vmem>> -> memref<128xi32, #tpu.memory_space<vmem>>
        %dma_start3A_242 = tpu.memref_slice %arg3[%mul3A_238] : memref<100000xi32, #tpu.memory_space<hbm>> -> memref<128xi32, #tpu.memory_space<hbm>>
        %dma_start3A_243 = arith.constant 0 : i32
        %dma_start3A_244 = tpu.memref_slice %arg9[%dma_start3A, %dma_start3A_243] : memref<4x128xi32, #tpu.memory_space<vmem>> -> memref<1x128xi32, #tpu.memory_space<vmem>>
        %dma_start3A_245 = tpu.memref_squeeze %dma_start3A_244 : memref<1x128xi32, #tpu.memory_space<vmem>> -> memref<128xi32, #tpu.memory_space<vmem>>
        %dma_start3A_246 = tpu.memref_slice %arg3[%mul3A_238] : memref<100000xi32, #tpu.memory_space<hbm>> -> memref<128xi32, #tpu.memory_space<hbm>>
        tpu.enqueue_dma source(%dma_start3A_246 : memref<128xi32, #tpu.memory_space<hbm>>) target(%dma_start3A_245 : memref<128xi32, #tpu.memory_space<vmem>>) target_semaphore(%arg18 : memref<!tpu.dma_semaphore, #tpu.memory_space<semaphore_mem>>)
        %dma_start3A_247 = arith.constant 0 : i32
        %dma_start3A_248 = tpu.memref_slice %arg2[%mul3A_238, %dma_start3A_247] : memref<100000x128xf32, #tpu.memory_space<hbm>> -> memref<128x128xf32, #tpu.memory_space<hbm>>
        %dma_start3A_249 = arith.constant 0 : i32
        %dma_start3A_250 = tpu.memref_slice %arg2[%mul3A_238, %dma_start3A_249] : memref<100000x128xf32, #tpu.memory_space<hbm>> -> memref<128x128xf32, #tpu.memory_space<hbm>>
        tpu.enqueue_dma source(%dma_start3A_250 : memref<128x128xf32, #tpu.memory_space<hbm>>) target(%arg11 : memref<128x128xf32, #tpu.memory_space<vmem>>) target_semaphore(%arg18 : memref<!tpu.dma_semaphore, #tpu.memory_space<semaphore_mem>>)
      } else {
      }
    }
    %scan3A_21 = arith.constant 7 : i32
    %eq3A = arith.constant 0 : i32
    %eq3A_22 = arith.cmpi eq, %add3A, %eq3A : i32
    %convert_element_type3A_23 = arith.extui %eq3A_22 : i1 to i32
    %cond3A_24 = arith.constant 0 : i32
    %cond3A_25 = arith.cmpi ne, %convert_element_type3A_23, %cond3A_24 : i32
    scf.if %cond3A_25 {
      "tpu.region"() ({
        %run_scoped3A = tpu.sem_alloc : memref<!tpu.dma_semaphore, #tpu.memory_space<semaphore_mem>>
        %dma_start3A = arith.constant 99968 : i32
        %dma_start3A_27 = tpu.memref_slice %arg3[%dma_start3A] : memref<100000xi32, #tpu.memory_space<hbm>> -> memref<32xi32, #tpu.memory_space<hbm>>
        %dma_start3A_28 = arith.constant 99968 : i32
        %dma_start3A_29 = tpu.memref_slice %arg3[%dma_start3A_28] : memref<100000xi32, #tpu.memory_space<hbm>> -> memref<32xi32, #tpu.memory_space<hbm>>
        tpu.enqueue_dma source(%dma_start3A_29 : memref<32xi32, #tpu.memory_space<hbm>>) target(%arg15 : memref<32xi32, #tpu.memory_space<vmem>>) target_semaphore(%run_scoped3A : memref<!tpu.dma_semaphore, #tpu.memory_space<semaphore_mem>>)
        %dma_wait3A = arith.constant 99968 : i32
        %dma_wait3A_30 = tpu.memref_slice %arg3[%dma_wait3A] : memref<100000xi32, #tpu.memory_space<hbm>> -> memref<32xi32, #tpu.memory_space<hbm>>
        %dma_wait3A_31 = arith.constant 99968 : i32
        %dma_wait3A_32 = tpu.memref_slice %arg3[%dma_wait3A_31] : memref<100000xi32, #tpu.memory_space<hbm>> -> memref<32xi32, #tpu.memory_space<hbm>>
        tpu.wait_dma2 semaphore(%run_scoped3A : memref<!tpu.dma_semaphore, #tpu.memory_space<semaphore_mem>>) src(%dma_wait3A_32 : memref<32xi32, #tpu.memory_space<hbm>>) dst(%arg15 : memref<32xi32, #tpu.memory_space<vmem>>)
        tpu.yield
      }) : () -> ()
      "tpu.region"() ({
        %run_scoped3A = tpu.sem_alloc : memref<!tpu.dma_semaphore, #tpu.memory_space<semaphore_mem>>
        %dma_start3A = arith.constant 99968 : i32
        %dma_start3A_27 = arith.constant 0 : i32
        %dma_start3A_28 = tpu.memref_slice %arg2[%dma_start3A, %dma_start3A_27] : memref<100000x128xf32, #tpu.memory_space<hbm>> -> memref<32x128xf32, #tpu.memory_space<hbm>>
        %dma_start3A_29 = arith.constant 99968 : i32
        %dma_start3A_30 = arith.constant 0 : i32
        %dma_start3A_31 = tpu.memref_slice %arg2[%dma_start3A_29, %dma_start3A_30] : memref<100000x128xf32, #tpu.memory_space<hbm>> -> memref<32x128xf32, #tpu.memory_space<hbm>>
        tpu.enqueue_dma source(%dma_start3A_31 : memref<32x128xf32, #tpu.memory_space<hbm>>) target(%arg16 : memref<32x128xf32, #tpu.memory_space<vmem>>) target_semaphore(%run_scoped3A : memref<!tpu.dma_semaphore, #tpu.memory_space<semaphore_mem>>)
        %dma_wait3A = arith.constant 99968 : i32
        %dma_wait3A_32 = arith.constant 0 : i32
        %dma_wait3A_33 = tpu.memref_slice %arg2[%dma_wait3A, %dma_wait3A_32] : memref<100000x128xf32, #tpu.memory_space<hbm>> -> memref<32x128xf32, #tpu.memory_space<hbm>>
        %dma_wait3A_34 = arith.constant 99968 : i32
        %dma_wait3A_35 = arith.constant 0 : i32
        %dma_wait3A_36 = tpu.memref_slice %arg2[%dma_wait3A_34, %dma_wait3A_35] : memref<100000x128xf32, #tpu.memory_space<hbm>> -> memref<32x128xf32, #tpu.memory_space<hbm>>
        tpu.wait_dma2 semaphore(%run_scoped3A : memref<!tpu.dma_semaphore, #tpu.memory_space<semaphore_mem>>) src(%dma_wait3A_36 : memref<32x128xf32, #tpu.memory_space<hbm>>) dst(%arg16 : memref<32x128xf32, #tpu.memory_space<vmem>>)
        tpu.yield
      }) : () -> ()
      "tpu.region"() ({
        %run_scoped3A = tpu.sem_alloc : memref<!tpu.dma_semaphore, #tpu.memory_space<semaphore_mem>>
        %dma_start3A = arith.constant 0 : i32
        %dma_start3A_27 = arith.constant 0 : i32
        %dma_start3A_28 = tpu.memref_slice %arg25[%dma_start3A, %dma_start3A_27] : memref<1024x128xf32, #tpu.memory_space<vmem_shared>> -> memref<1024x128xf32, #tpu.memory_space<vmem_shared>>
        tpu.enqueue_indirect_dma source(%arg16 : memref<32x128xf32, #tpu.memory_space<vmem>>) target(%dma_start3A_28 : memref<1024x128xf32, #tpu.memory_space<vmem_shared>>) offsets(%arg15 : memref<32xi32, #tpu.memory_space<vmem>>) semaphore(%run_scoped3A : memref<!tpu.dma_semaphore, #tpu.memory_space<semaphore_mem>>) {add = true}
        %dma_wait3A = arith.constant 0 : i32
        %dma_wait3A_29 = arith.constant 0 : i32
        %dma_wait3A_30 = tpu.memref_slice %arg25[%dma_wait3A, %dma_wait3A_29] : memref<1024x128xf32, #tpu.memory_space<vmem_shared>> -> memref<1024x128xf32, #tpu.memory_space<vmem_shared>>
        tpu.wait_indirect_dma semaphore(%run_scoped3A : memref<!tpu.dma_semaphore, #tpu.memory_space<semaphore_mem>>) src(%arg16 : memref<32x128xf32, #tpu.memory_space<vmem>>) dst(%dma_wait3A_30 : memref<1024x128xf32, #tpu.memory_space<vmem_shared>>)
        tpu.yield
      }) : () -> ()
      "tpu.region"() ({
        %run_scoped3A = tpu.sem_alloc : memref<!tpu.dma_semaphore, #tpu.memory_space<semaphore_mem>>
        %dma_start3A = arith.constant 0 : i32
        %dma_start3A_27 = arith.constant 0 : i32
        %dma_start3A_28 = tpu.memref_slice %arg14[%dma_start3A, %dma_start3A_27] : memref<128x16xf32, #tpu.memory_space<vmem>> -> memref<32x16xf32, #tpu.memory_space<vmem>>
        %dma_start3A_29 = arith.constant 0 : i32
        %dma_start3A_30 = arith.constant 0 : i32
        %dma_start3A_31 = tpu.memref_slice %arg26[%dma_start3A_29, %dma_start3A_30] : memref<1024x16xf32, #tpu.memory_space<vmem_shared>> -> memref<1024x16xf32, #tpu.memory_space<vmem_shared>>
        tpu.enqueue_indirect_dma source(%dma_start3A_28 : memref<32x16xf32, #tpu.memory_space<vmem>>) target(%dma_start3A_31 : memref<1024x16xf32, #tpu.memory_space<vmem_shared>>) offsets(%arg15 : memref<32xi32, #tpu.memory_space<vmem>>) semaphore(%run_scoped3A : memref<!tpu.dma_semaphore, #tpu.memory_space<semaphore_mem>>) {add = true}
        %dma_wait3A = arith.constant 0 : i32
        %dma_wait3A_32 = arith.constant 0 : i32
        %dma_wait3A_33 = tpu.memref_slice %arg14[%dma_wait3A, %dma_wait3A_32] : memref<128x16xf32, #tpu.memory_space<vmem>> -> memref<32x16xf32, #tpu.memory_space<vmem>>
        %dma_wait3A_34 = arith.constant 0 : i32
        %dma_wait3A_35 = arith.constant 0 : i32
        %dma_wait3A_36 = tpu.memref_slice %arg26[%dma_wait3A_34, %dma_wait3A_35] : memref<1024x16xf32, #tpu.memory_space<vmem_shared>> -> memref<1024x16xf32, #tpu.memory_space<vmem_shared>>
        tpu.wait_indirect_dma semaphore(%run_scoped3A : memref<!tpu.dma_semaphore, #tpu.memory_space<semaphore_mem>>) src(%dma_wait3A_33 : memref<32x16xf32, #tpu.memory_space<vmem>>) dst(%dma_wait3A_36 : memref<1024x16xf32, #tpu.memory_space<vmem_shared>>)
        tpu.yield
      }) : () -> ()
    } else {
    }
    %barrier3A_26 = arith.constant 0 : index
    tpu.barrier barrier_id(%barrier3A_26)
    "tpu.region"() ({
      %run_scoped3A = tpu.sem_alloc : memref<!tpu.dma_semaphore, #tpu.memory_space<semaphore_mem>>
      %dma_start3A = arith.constant 0 : i32
      %dma_start3A_27 = tpu.memref_slice %arg7[%arg0, %mul3A_2, %dma_start3A] : memref<2x1024x128xf32, #tpu.memory_space<hbm>> -> memref<1x64x128xf32, #tpu.memory_space<hbm>>
      %dma_start3A_28 = tpu.memref_squeeze %dma_start3A_27 : memref<1x64x128xf32, #tpu.memory_space<hbm>> -> memref<64x128xf32, #tpu.memory_space<hbm>>
      %dma_start3A_29 = arith.constant 0 : i32
      %dma_start3A_30 = tpu.memref_slice %arg25[%mul3A_2, %dma_start3A_29] : memref<1024x128xf32, #tpu.memory_space<vmem_shared>> -> memref<64x128xf32, #tpu.memory_space<vmem_shared>>
      tpu.enqueue_dma source(%dma_start3A_30 : memref<64x128xf32, #tpu.memory_space<vmem_shared>>) target(%dma_start3A_28 : memref<64x128xf32, #tpu.memory_space<hbm>>) target_semaphore(%run_scoped3A : memref<!tpu.dma_semaphore, #tpu.memory_space<semaphore_mem>>)
      %dma_wait3A = arith.constant 0 : i32
      %dma_wait3A_31 = tpu.memref_slice %arg7[%arg0, %mul3A_2, %dma_wait3A] : memref<2x1024x128xf32, #tpu.memory_space<hbm>> -> memref<1x64x128xf32, #tpu.memory_space<hbm>>
      %dma_wait3A_32 = tpu.memref_squeeze %dma_wait3A_31 : memref<1x64x128xf32, #tpu.memory_space<hbm>> -> memref<64x128xf32, #tpu.memory_space<hbm>>
      %dma_wait3A_33 = arith.constant 0 : i32
      %dma_wait3A_34 = tpu.memref_slice %arg25[%mul3A_2, %dma_wait3A_33] : memref<1024x128xf32, #tpu.memory_space<vmem_shared>> -> memref<64x128xf32, #tpu.memory_space<vmem_shared>>
      tpu.wait_dma2 semaphore(%run_scoped3A : memref<!tpu.dma_semaphore, #tpu.memory_space<semaphore_mem>>) src(%dma_wait3A_34 : memref<64x128xf32, #tpu.memory_space<vmem_shared>>) dst(%dma_wait3A_32 : memref<64x128xf32, #tpu.memory_space<hbm>>)
      tpu.yield
    }) : () -> ()
    "tpu.region"() ({
      %run_scoped3A = tpu.sem_alloc : memref<!tpu.dma_semaphore, #tpu.memory_space<semaphore_mem>>
      %dma_start3A = arith.constant 0 : i32
      %dma_start3A_27 = tpu.memref_slice %arg8[%arg0, %mul3A_2, %dma_start3A] : memref<2x1024x16xf32, #tpu.memory_space<hbm>> -> memref<1x64x16xf32, #tpu.memory_space<hbm>>
      %dma_start3A_28 = tpu.memref_squeeze %dma_start3A_27 : memref<1x64x16xf32, #tpu.memory_space<hbm>> -> memref<64x16xf32, #tpu.memory_space<hbm>>
      %dma_start3A_29 = arith.constant 0 : i32
      %dma_start3A_30 = tpu.memref_slice %arg26[%mul3A_2, %dma_start3A_29] : memref<1024x16xf32, #tpu.memory_space<vmem_shared>> -> memref<64x16xf32, #tpu.memory_space<vmem_shared>>
      tpu.enqueue_dma source(%dma_start3A_30 : memref<64x16xf32, #tpu.memory_space<vmem_shared>>) target(%dma_start3A_28 : memref<64x16xf32, #tpu.memory_space<hbm>>) target_semaphore(%run_scoped3A : memref<!tpu.dma_semaphore, #tpu.memory_space<semaphore_mem>>)
      %dma_wait3A = arith.constant 0 : i32
      %dma_wait3A_31 = tpu.memref_slice %arg8[%arg0, %mul3A_2, %dma_wait3A] : memref<2x1024x16xf32, #tpu.memory_space<hbm>> -> memref<1x64x16xf32, #tpu.memory_space<hbm>>
      %dma_wait3A_32 = tpu.memref_squeeze %dma_wait3A_31 : memref<1x64x16xf32, #tpu.memory_space<hbm>> -> memref<64x16xf32, #tpu.memory_space<hbm>>
      %dma_wait3A_33 = arith.constant 0 : i32
      %dma_wait3A_34 = tpu.memref_slice %arg26[%mul3A_2, %dma_wait3A_33] : memref<1024x16xf32, #tpu.memory_space<vmem_shared>> -> memref<64x16xf32, #tpu.memory_space<vmem_shared>>
      tpu.wait_dma2 semaphore(%run_scoped3A : memref<!tpu.dma_semaphore, #tpu.memory_space<semaphore_mem>>) src(%dma_wait3A_34 : memref<64x16xf32, #tpu.memory_space<vmem_shared>>) dst(%dma_wait3A_32 : memref<64x16xf32, #tpu.memory_space<hbm>>)
      tpu.yield
    }) : () -> ()
    return
  }
}

module attributes {stable_mosaic.version = 14 : i64} {
  func.func @body(%arg0: memref<2x1024x128xf32, #tpu.memory_space<vmem>>, %arg1: memref<2x1024x16xf32, #tpu.memory_space<vmem>>, %arg2: memref<1x128xf32, #tpu.memory_space<vmem>>, %arg3: memref<1x128xf32, #tpu.memory_space<vmem>>, %arg4: memref<128x128xf32, #tpu.memory_space<vmem>>, %arg5: memref<1x128xf32, #tpu.memory_space<vmem>>, %arg6: memref<1024x128xf32, #tpu.memory_space<vmem>>) attributes {dimension_semantics = [], scalar_prefetch = 0 : i64, scratch_operands = 0 : i64, tpu.core_type = #tpu.core_type<tc>} {
    %get3A = arith.constant 0 : index
    %get3A_0 = arith.constant 0 : index
    %get3A_1 = arith.constant 0 : index
    %get3A_2 = vector.load %arg0[%get3A, %get3A_0, %get3A_1] : memref<2x1024x128xf32, #tpu.memory_space<vmem>>, vector<1x1024x128xf32>
    %get3A_3 = vector.shape_cast %get3A_2 : vector<1x1024x128xf32> to vector<1024x128xf32>
    %get3A_4 = arith.constant 1 : index
    %get3A_5 = arith.constant 0 : index
    %get3A_6 = arith.constant 0 : index
    %get3A_7 = vector.load %arg0[%get3A_4, %get3A_5, %get3A_6] : memref<2x1024x128xf32, #tpu.memory_space<vmem>>, vector<1x1024x128xf32>
    %get3A_8 = vector.shape_cast %get3A_7 : vector<1x1024x128xf32> to vector<1024x128xf32>
    %add3A = arith.addf %get3A_3, %get3A_8 : vector<1024x128xf32>
    %get3A_9 = arith.constant 0 : index
    %get3A_10 = arith.constant 0 : index
    %get3A_11 = arith.constant 0 : index
    %get3A_12 = vector.load %arg1[%get3A_9, %get3A_10, %get3A_11] : memref<2x1024x16xf32, #tpu.memory_space<vmem>>, vector<1x1024x16xf32>
    %get3A_13 = vector.shape_cast %get3A_12 : vector<1x1024x16xf32> to vector<1024x16xf32>
    %get3A_14 = arith.constant 1 : index
    %get3A_15 = arith.constant 0 : index
    %get3A_16 = arith.constant 0 : index
    %get3A_17 = vector.load %arg1[%get3A_14, %get3A_15, %get3A_16] : memref<2x1024x16xf32, #tpu.memory_space<vmem>>, vector<1x1024x16xf32>
    %get3A_18 = vector.shape_cast %get3A_17 : vector<1x1024x16xf32> to vector<1024x16xf32>
    %add3A_19 = arith.addf %get3A_13, %get3A_18 : vector<1024x16xf32>
    %slice3A = vector.extract_strided_slice %add3A_19 {offsets = [0, 0], sizes = [1024, 1], strides = [1, 1]} : vector<1024x16xf32> to vector<1024x1xf32>
    %max3A = arith.constant 1.000000e+00 : f32
    %max3A_20 = vector.broadcast %max3A : f32 to vector<1024x1xf32>
    %max3A_21 = arith.maximumf %slice3A, %max3A_20 : vector<1024x1xf32>
    %div3A = vector.broadcast %max3A_21 : vector<1024x1xf32> to vector<1024x128xf32>
    %div3A_22 = arith.divf %add3A, %div3A : vector<1024x128xf32>
    %reduce_sum3A = arith.constant dense<0.000000e+00> : vector<1024xf32>
    %reduce_sum3A_23 = vector.multi_reduction <add>, %div3A_22, %reduce_sum3A [1] : vector<1024x128xf32> to vector<1024xf32>
    %broadcast_in_dim3A = vector.shape_cast %reduce_sum3A_23 : vector<1024xf32> to vector<1024x1xf32>
    %div3A_24 = arith.constant 1.280000e+02 : f32
    %div3A_25 = vector.broadcast %div3A_24 : f32 to vector<1024x1xf32>
    %div3A_26 = arith.divf %broadcast_in_dim3A, %div3A_25 : vector<1024x1xf32>
    %sub3A = vector.broadcast %div3A_26 : vector<1024x1xf32> to vector<1024x128xf32>
    %sub3A_27 = arith.subf %div3A_22, %sub3A : vector<1024x128xf32>
    %integer_pow3A = arith.mulf %sub3A_27, %sub3A_27 : vector<1024x128xf32>
    %reduce_sum3A_28 = arith.constant dense<0.000000e+00> : vector<1024xf32>
    %reduce_sum3A_29 = vector.multi_reduction <add>, %integer_pow3A, %reduce_sum3A_28 [1] : vector<1024x128xf32> to vector<1024xf32>
    %broadcast_in_dim3A_30 = vector.shape_cast %reduce_sum3A_29 : vector<1024xf32> to vector<1024x1xf32>
    %div3A_31 = arith.constant 1.280000e+02 : f32
    %div3A_32 = vector.broadcast %div3A_31 : f32 to vector<1024x1xf32>
    %div3A_33 = arith.divf %broadcast_in_dim3A_30, %div3A_32 : vector<1024x1xf32>
    %sub3A_34 = vector.broadcast %div3A_26 : vector<1024x1xf32> to vector<1024x128xf32>
    %sub3A_35 = arith.subf %div3A_22, %sub3A_34 : vector<1024x128xf32>
    %add3A_36 = arith.constant 9.99999974E-6 : f32
    %add3A_37 = vector.broadcast %add3A_36 : f32 to vector<1024x1xf32>
    %add3A_38 = arith.addf %div3A_33, %add3A_37 : vector<1024x1xf32>
    %rsqrt3A = math.rsqrt %add3A_38 : vector<1024x1xf32>
    %mul3A = vector.broadcast %rsqrt3A : vector<1024x1xf32> to vector<1024x128xf32>
    %mul3A_39 = arith.mulf %sub3A_35, %mul3A : vector<1024x128xf32>
    %get3A_40 = arith.constant 0 : index
    %get3A_41 = arith.constant 0 : index
    %get3A_42 = vector.load %arg2[%get3A_40, %get3A_41] : memref<1x128xf32, #tpu.memory_space<vmem>>, vector<1x128xf32>
    %mul3A_43 = vector.broadcast %get3A_42 : vector<1x128xf32> to vector<1024x128xf32>
    %mul3A_44 = arith.mulf %mul3A_39, %mul3A_43 : vector<1024x128xf32>
    %get3A_45 = arith.constant 0 : index
    %get3A_46 = arith.constant 0 : index
    %get3A_47 = vector.load %arg3[%get3A_45, %get3A_46] : memref<1x128xf32, #tpu.memory_space<vmem>>, vector<1x128xf32>
    %add3A_48 = vector.broadcast %get3A_47 : vector<1x128xf32> to vector<1024x128xf32>
    %add3A_49 = arith.addf %mul3A_44, %add3A_48 : vector<1024x128xf32>
    %get3A_50 = arith.constant 0 : index
    %get3A_51 = arith.constant 0 : index
    %get3A_52 = vector.load %arg4[%get3A_50, %get3A_51] : memref<128x128xf32, #tpu.memory_space<vmem>>, vector<128x128xf32>
    %dot_general3A = arith.constant dense<0.000000e+00> : vector<1024x128xf32>
    %dot_general3A_53 = tpu.matmul %add3A_49, %get3A_52, %dot_general3A {dimension_numbers = #tpu.dot_dimension_numbers<[1], [0], [0], [1], [0, 0, 1, 1], [], []>, transpose_lhs_hint = false} : vector<1024x128xf32>, vector<128x128xf32>, vector<1024x128xf32> -> vector<1024x128xf32>
    %get3A_54 = arith.constant 0 : index
    %get3A_55 = arith.constant 0 : index
    %get3A_56 = vector.load %arg5[%get3A_54, %get3A_55] : memref<1x128xf32, #tpu.memory_space<vmem>>, vector<1x128xf32>
    %add3A_57 = vector.broadcast %get3A_56 : vector<1x128xf32> to vector<1024x128xf32>
    %add3A_58 = arith.addf %dot_general3A_53, %add3A_57 : vector<1024x128xf32>
    %swap3A = arith.constant 0 : index
    %swap3A_59 = arith.constant 0 : index
    %swap3A_60 = vector.load %arg6[%swap3A, %swap3A_59] : memref<1024x128xf32, #tpu.memory_space<vmem>>, vector<1024x128xf32>
    tpu.vector_store %arg6[%swap3A, %swap3A_59], %add3A_58 {strides = array<i32>} : memref<1024x128xf32, #tpu.memory_space<vmem>>, vector<1024x128xf32>,
    return
  }
}

</mosaic_0001>

<sc_bundles>
// kernel: kernel.4.cloned.1.call-start
scs
__scs_entry_jumppad:
0x0: {  	(pc) =	sbr.rel $0x88, $3  }
0x1: {  	(tag) =	ssettag $0x0;
	lr =	simm.s32 $0x1  }
0x2: {  	[smem:$0x3F9B] =	sst lr;
	_ =	strace $0xD0000000  }
0x3: {  	_ = 	snop  }
0x4: {  	_ = 	snop  }
0x5: {  	_ = 	snop  }
0x6: {  	_ = 	snop  }
0x7: {  	_ = 	snop  }
__scs_overlays_trampoline_lowered:
0x8: {  	[smem:$0x3FAA] =	sst s0  }
0x9: {  	[smem:$0x3FAB] =	sst s1  }
0xa: {  	[smem:$0x3FAC] =	sst s2  }
0xb: {  	[smem:$0x3FAD] =	sst s3  }
0xc: {  	[smem:$0x3FAE] =	sst s4  }
0xd: {  	[smem:$0x3FAF] =	sst s5  }
0xe: {  	[smem:$0x3FB0] =	sst s6  }
0xf: {  	[smem:$0x3FB1] =	sst s7  }
0x10: {  	[smem:$0x3FB2] =	sst s8  }
0x11: {  	[smem:$0x3FB3] =	sst s9;
	s0 =	simm.s32 @!p0 $0x0  }
0x12: {  	s1 =	sld [smem:$0x3F99];
	s0 =	simm.s32 @p0 $0x1  }
0x13: {  	[smem:$0x3FB4] =	sst s0;
	s0 =	simm.s32 @!p1 $0x0  }
0x14: {  	s2 =	sld [smem:$0x3F98];
	s0 =	simm.s32 @p1 $0x1  }
0x15: {  	[smem:$0x3FB5] =	sst s0;
	s0 =	simm.s32 @!p2 $0x0  }
0x16: {  	s3 =	sld [smem:$0x3FDB];
	s0 =	simm.s32 @p2 $0x1  }
0x17: {  	s4 =	simm.s32 $0x1BF5;
	[smem:$0x3FB7] =	sst s0  }
0x18: {  	s0 =	sld [smem:$0x3F9A];
	_ =	swait.ge [sflag:s4], $0x0  }
0x19: {  	s7 =	sld [smem:$0x3F9B]  }
0x1a: {  	s8 =	sadd.s32 $0xFFFFE003, lr  }
0x1b: {  	s9 =	sadd.s32 $0xFFFFFEF7, lr;
	s5 =	simm.s32 $0xFFFFFFFF;
	p2 =	slt.u32 s8, $0xFFFFF086  }
0x1c: {  	p1 =	slt.u32 s9, $0xF7A;
	s5 =	simm.s32 @!p2 $0x0  }
0x1d: {  	s5 =	simm.s32 @p1 $0x1;
	p0 =	seq.s32 s7, s2  }
0x1e: {  	s7 =	smul.u32 @!p0 $0xF7A, s2;
	p2 =	seq.s32 @!p0 s5, $0x0  }
0x1f: {  	s9 =	smul.u32 $0xF7A, s1;
	s8 =	simm.s32 @!p0 $0x1BF5;
	p2 =	por !p2, p0  }
0x20: {  	[sflag:s8] =	ssyncset.s32 @!p0 $0xFFFFF086;
	s6 =	sadd.s32 @!p0 s3, s7;
	s7 =	simm.s32 @!p0 $0x108  }
0x21: {  	s3 =	sadd.s32 s3, s9;
	s6 =	sadd.s32 @!p0 $0x88, s6;
	s7 =	simm.s32 @p2 $0x1082  }
0x22: {  	[simem:s7], [sflag:s8] =	dma.local @!p0 [hbm:s6], $0xF7A  }
0x23: {  	s9 =	sor.u32 $0xD0000000, s2;
	s6 =	simm.s32 $0x108;
	_ =	swait.ge @!p0 [sflag:s8], $0x0  }
0x24: {  	s3 =	sadd.s32 $0x88, s3;
	s6 =	simm.s32 @!p1 $0x1082;
	[sflag:s4] =	ssyncset.s32 $0xFFFFF086  }
0x25: {  	[simem:s6], [sflag:s4] =	dma.local [hbm:s3], $0xF7A  }
0x26: {  	[smem:$0x3F9B] =	sst s1;
	(tag) =	ssettag s2;
	_ =	strace s9  }
0x27: {  	s1 =	sld [smem:$0x3FAB]  }
0x28: {  	s2 =	sld [smem:$0x3FAC]  }
0x29: {  	s4 =	sld [smem:$0x3FAE]  }
0x2a: {  	p0 =	seq.s32 s5, $0x0;
	s5 =	sld [smem:$0x3FAF]  }
0x2b: {  	s6 =	sld [smem:$0x3FB0]  }
0x2c: {  	s7 =	sld [smem:$0x3FB1]  }
0x2d: {  	s3 =	simm.s32 $0x108;
	s8 =	sld [smem:$0x3FB2]  }
0x2e: {  	s3 =	simm.s32 @!p0 $0x1082;
	s9 =	sld [smem:$0x3FB3]  }
0x2f: {  	lr =	sadd.s32 s0, s3;
	s0 =	sld [smem:$0x3FAA]  }
0x30: {  	s3 =	sld [smem:$0x3FAD]  }
0x31: {  	[smem:$0x3FB6] =	sst s10  }
0x32: {  	s10 =	sld [smem:$0x3FB4];
	_ =	sdelay $0x3  }
0x33: {  	p0 =	seq.s32 s10, $0x1;
	s10 =	sld [smem:$0x3FB6];
	_ =	sdelay $0x3  }
0x34: {  	[smem:$0x3FB6] =	sst s10  }
0x35: {  	s10 =	sld [smem:$0x3FB5];
	_ =	sdelay $0x3  }
0x36: {  	p1 =	seq.s32 s10, $0x1;
	s10 =	sld [smem:$0x3FB6];
	_ =	sdelay $0x3  }
0x37: {  	[smem:$0x3FB6] =	sst s10  }
0x38: {  	s10 =	sld [smem:$0x3FB7]  }
0x39: {  	_ = 	snop;
	(pc) =	sbr.ind lr, $3  }
0x3a: {  	_ = 	snop  }
0x3b: {  	_ = 	snop  }
0x3c: {  	p2 =	seq.s32 s10, $0x1;
	s10 =	sld [smem:$0x3FB6]  }
0x3d: {  	_ =	shalt  }
0x3e: {  	_ =	shalt  }
0x3f: {  	_ =	shalt  }
0x40: {  	_ =	shalt  }
0x41: {  	_ =	shalt  }
0x42: {  	_ =	shalt  }
0x43: {  	_ =	shalt  }
0x44: {  	_ =	shalt  }
0x45: {  	_ =	shalt  }
0x46: {  	_ =	shalt  }
0x47: {  	_ =	shalt  }
0x48: {  	_ =	shalt  }
0x49: {  	_ =	shalt  }
0x4a: {  	_ =	shalt  }
0x4b: {  	_ =	shalt  }
0x4c: {  	_ =	shalt  }
0x4d: {  	_ =	shalt  }
0x4e: {  	_ =	shalt  }
0x4f: {  	_ =	shalt  }
0x50: {  	_ =	shalt  }
0x51: {  	_ =	shalt  }
0x52: {  	_ =	shalt  }
0x53: {  	_ =	shalt  }
0x54: {  	_ =	shalt  }
0x55: {  	_ =	shalt  }
0x56: {  	_ =	shalt  }
0x57: {  	_ =	shalt  }
0x58: {  	_ =	shalt  }
0x59: {  	_ =	shalt  }
0x5a: {  	_ =	shalt  }
0x5b: {  	_ =	shalt  }
0x5c: {  	_ =	shalt  }
0x5d: {  	_ =	shalt  }
0x5e: {  	_ =	shalt  }
0x5f: {  	_ =	shalt  }
0x60: {  	_ =	shalt  }
0x61: {  	_ =	shalt  }
0x62: {  	_ =	shalt  }
0x63: {  	_ =	shalt  }
0x64: {  	_ =	shalt  }
0x65: {  	_ =	shalt  }
0x66: {  	_ =	shalt  }
0x67: {  	_ =	shalt  }
0x68: {  	_ =	shalt  }
0x69: {  	_ =	shalt  }
0x6a: {  	_ =	shalt  }
0x6b: {  	_ =	shalt  }
0x6c: {  	_ =	shalt  }
0x6d: {  	_ =	shalt  }
0x6e: {  	_ =	shalt  }
0x6f: {  	_ =	shalt  }
0x70: {  	_ =	shalt  }
0x71: {  	_ =	shalt  }
0x72: {  	_ =	shalt  }
0x73: {  	_ =	shalt  }
0x74: {  	_ =	shalt  }
0x75: {  	_ =	shalt  }
0x76: {  	_ =	shalt  }
0x77: {  	_ =	shalt  }
0x78: {  	_ =	shalt  }
0x79: {  	_ =	shalt  }
0x7a: {  	_ =	shalt  }
0x7b: {  	_ =	shalt  }
0x7c: {  	_ =	shalt  }
0x7d: {  	_ =	shalt  }
0x7e: {  	_ =	shalt  }
0x7f: {  	_ =	shalt  }
0x80: {  	_ =	shalt  }
0x81: {  	_ =	shalt  }
0x82: {  	_ =	shalt  }
0x83: {  	_ =	shalt  }
0x84: {  	_ =	shalt  }
0x85: {  	_ =	shalt  }
0x86: {  	_ =	shalt  }
0x87: {  	_ =	shalt  }
.Lfunc_end0:
.L_simem_size_0:
called_computation_lowered:
.L_overlay_start_0:
0x88: {  	s2 =	sld [smem:$0x3FD9]  }
0x89: {  	s3 =	sld [smem:$0x3FFE];
	_ =	sdelay $0x1  }
0x8a: {  	s1 =	srdreg.scid  }
0x8b: {  	s0 =	sand.u32 $0x1, s1  }
0x8c: {  	s17 =	sshll.u32 s0, $0xA;
	s2 =	sadd.s32 s3, s2  }
0x8d: {  	s2 =	sadd.s32 s2, s17  }
0x8e: {  	[smem:$0x3FC2] =	sst s2  }
0x8f: {  	_ = 	snop  }
0x90: {  	s2 =	sld [smem:$0x3FC9]  }
0x91: {  	s18 =	sld [smem:$0x3FC8]  }
0x92: {  	s4 =	sld [smem:$0x3FD0];
	(tm) =	ssettm $0x1  }
0x93: {  	s5 =	sld [smem:$0x3FFB];
	_ =	sdelay $0x3  }
0x94: {  	_ =	strace s5  }
0x95: {  	s5 =	sld [smem:$0x3FFC];
	_ =	sdelay $0x3  }
0x96: {  	_ =	strace s5  }
0x97: {  	s5 =	sld [smem:$0x3FFD];
	_ =	sdelay $0x3  }
0x98: {  	_ =	strace s5  }
0x99: {  	_ =	strace $0x8FFFFFFF  }
0x9a: {  	s19 =	sld [smem:$0x3FDB];
	_ =	sdelay $0x1  }
0x9b: {  	s6 =	simm.s32 $_scs_section_size  }
0x9c: {  	s7 =	simm.s32 $_size__tile_overlayer_lowered;
	s8 =	simm.s32 $_tile_overlayer_lowered  }
0x9d: {  	s22 =	simm.s32 $0x1BFF;
	s21 =	sshll.u32 s8, $0x1;
	s5 =	sadd.s32 s6, s19  }
0x9e: {  	s9 =	simm.s32 $0x0;
	s20 =	sshll.u32 s7, $0x1;
	s7 =	sadd.s32 s21, s5  }
0x9f: {  	[timem:s9], [sflag:s22] =	dma.local [hbm:s7], s20  }
0xa0: {  	_ =	swait.ge [sflag:s22], s20  }
0xa1: {  	s6 =	ssub.s32 $0x0, s20;
	[sflag:s22] =	ssyncset.done $0x0  }
0xa2: {  	[sflag:s22] =	ssyncadd.s32 s6;
	_ =	sdelay $0x1  }
0xa3: {  	s23 =	simm.s32 $0x1B8B  }
0xa4: {  	_ =	swait.ge [sflag:s23], $0x1  }
0xa5: {  	[sflag:s23] =	ssyncset.done $0x0  }
0xa6: {  	s25 =	simm.s32 $0x1B8E;
	s24 =	sld [smem:$0x3FFE];
	[sflag:s23] =	ssyncadd.s32 $0xFFFFFFFF  }
0xa7: {  	s26 =	simm.s32 $execute0_lowered;
	[smem:$0x3FD2] =	sst s25  }
0xa8: {  	s7 =	sshll.u32 s26, $0x1;
	_ =	strace $0x80000046;
	[dreg:$0x1] =	wrdreg $0xFFFFFFFF  }
0xa9: {  	s28 =	simm.s32 $_size_execute0_lowered;
	s5 =	sadd.s32 s5, s7;
	[dreg:$0x0] =	wrdreg $0x0  }
0xaa: {  	s7 =	sshll.u32 s28, $0x1;
	[dreg:$0x2] =	wrdreg s5  }
0xab: {  	[dreg:$0x3] =	wrdreg s7  }
0xac: {  	[dreg:$0x4] =	wrdreg $0xC0  }
0xad: {  	_ =	task [dreg:s9], $0x5FFFF  }
0xae: {  	[dreg:$0x1] =	wrdreg $0xFFFFFFFF  }
0xaf: {  	[dreg:$0x0] =	wrdreg $0x60  }
0xb0: {  	[dreg:$0x2] =	wrdreg s2  }
0xb1: {  	[dreg:$0x3] =	wrdreg s18  }
0xb2: {  	[dreg:$0x4] =	wrdreg s4  }
0xb3: {  	[dreg:$0x5] =	wrdreg s24  }
0xb4: {  	[dreg:$0x6] =	wrdreg $0x152800  }
0xb5: {  	[dreg:$0x7] =	wrdreg $0x172800  }
0xb6: {  	[dreg:$0x8] =	wrdreg $0x9  }
0xb7: {  	_ =	task.clear_ibuf [dreg:s9], $0x9FFFF;
	_ =	strace $0x90000046  }
0xb8: {  	s29 =	simm.s32 $0x9;
	_ =	strace $0x80000048  }
0xb9: {  	_ =	swait.ge [sflag:s29], $0x1  }
0xba: {  	[sflag:s29] =	ssyncadd.s32 $0xFFFFFFFF  }
0xbb: {  	_ =	strace $0x90000048  }
0xbc: {  	_ =	sfence  }
0xbd: {  	s30 =	sld [smem:$0x0];
	_ =	sdelay $0x2  }
0xbe: {  	s31 =	sshll.u32 s1, $0xD;
	s1 =	sshrl.u32 s1, $0x2  }
0xbf: {  	s3 =	sand.u32 $0x4000, s31;
	s1 =	sadd.s32 s1, s30  }
0xc0: {  	s0 =	sor.u32 s3, s0;
	s1 =	sshll.u32 s1, $0x11  }
0xc1: {  	s0 =	sor.u32 s1, s0  }
0xc2: {  	s0 =	sadd.s32 $0x8F2B, s0  }
0xc3: {  	[sflag:s0] =	ssyncadd.remote.s32 $0x1  }
0xc4: {  	_ =	sfence.sel $0xFFFF  }
0xc5: {  	[dreg:$0x0] =	wrdreg $0xFFFFFFFF;
	(pc) =	sbr.abs _section_cstart, $3  }
0xc6: {  	[dreg:$0x1] =	wrdreg $0xFFFFFFFF  }
0xc7: {  	_ =	task.clear_ibuf [dreg:s9], $0x2FFFF;
	_ =	strace $0x9FFFFFFF  }
0xc8: {  	(tm) =	ssettm $0x7FFFFFFF  }
0xc9: {  	_ =	shalt  }
tec
execute0_lowered:
.L_overlay_start_1:
0x0: {  	(tag) =	ssettag $0x1  }
0x1: {  	s0 =	rddreg [dreg:$0x0]  }
0x2: {  	s3 =	rddreg [dreg:$0x1]  }
0x3: {  	s5 =	rddreg [dreg:$0x2]  }
0x4: {  	s6 =	rddreg [dreg:$0x3]  }
0x5: {  	s1 =	rddreg [dreg:$0x4]  }
0x6: {  	s2 =	rddreg [dreg:$0x5];
	s4 =	simm.s32 $0x0  }
0x7: {  	s7 =	srdreg.scid;
	s14 =	stileid.u32;
	s29 =	simm.s32 $0x0  }
0x8: {  	[smem:$0x7FF] =	sst s4;
	s7 =	sand.u32 $0x1, s7;
	s8 =	sshll.u32 s14, $0xA  }
0x9: {  	s9 =	sshll.u32 s14, $0xD;
	s11 =	sadd.s32 $0x1400, s6;
	s21 =	sshll.u32 s14, $0x6  }
0xa: {  	_ =	strace $0x80000047;
	s10 =	sshll.u32 s7, $0x11;
	s15 =	sadd.s32 s8, s6  }
0xb: {  	[dreg:$0x9] =	wrdreg s11;
	s30 =	ssub.s32 $0x2, s7;
	s12 =	sshll.u32 s7, $0x4  }
0xc: {  	s19 =	sadd.s32 s9, s1;
	s5 =	sadd.s32 s5, s8;
	s23 =	sadd.s32 s9, s2  }
0xd: {  	s25 =	sshll.u32 s7, $0x8;
	s26 =	sshll.u32 s7, $0xF;
	[dreg:$0xe] =	wrdreg s19  }
0xe: {  	s10 =	sor.u32 s9, s10;
	s13 =	sshrl.u32 s30, $0x1;
	[dreg:$0xf] =	wrdreg s5  }
0xf: {  	[dreg:$0x10] =	wrdreg s23;
	s15 =	sadd.s32 $0x1C00, s15;
	s10 =	sshrl.u32 s10, $0x3  }
0x10: {  	s20 =	ssub.s32 s30, s13;
	s10 =	sadd.s32 s10, s6;
	s6 =	sor.u32 s14, s12  }
0x11: {  	s30 =	sshll.u32 s14, $0x4;
	s20 =	smax.u32 s20, $0x1;
	s31 =	sshll.u32 s6, $0x4  }
0x12: {  	s12 =	sor.u32 $0x20, s6;
	s13 =	sshll.u32 s6, $0xB;
	s22 =	ssub.s32 $0x30D, s6  }
0x13: {  	s24 =	ssub.s32 $0x2ED, s6;
	s19 =	sadd.s32 $0xDC00, s10;
	p0 =	sne.s32 s6, $0x0  }
0x14: {  	s11 =	sadd.s32 s3, s31;
	s16 =	sshll.u32 s12, $0x4;
	[dreg:$0x7] =	wrdreg s22  }
0x15: {  	s18 =	sshll.u32 s12, $0xB;
	[dreg:$0x8] =	wrdreg s24;
	s31 =	sshll.u32 s14, $0xB  }
0x16: {  	[dreg:$0xa] =	wrdreg s11;
	s11 =	sadd.s32 s0, s13;
	s17 =	sadd.s32 s3, s16  }
0x17: {  	s13 =	sor.u32 $0x1C09, s21;
	s16 =	sadd.s32 $0x30D0, s3;
	[dreg:$0xb] =	wrdreg s11  }
0x18: {  	s3 =	sadd.s32 s25, s3;
	[dreg:$0xc] =	wrdreg s17;
	s11 =	sadd.s32 s0, s18  }
0x19: {  	s17 =	sadd.s32 $0x186800, s0;
	s18 =	sadd.s32 $0x5C00, s10;
	s0 =	sadd.s32 s26, s0  }
0x1a: {  	s3 =	sadd.s32 s30, s3;
	s26 =	simm.s32 $0x9;
	s0 =	sadd.s32 s31, s0  }
0x1b: {  	[dreg:$0xd] =	wrdreg s11;
	s25 =	sadd.s32 $0x600, s3;
	s28 =	sadd.s32 $0x30000, s0  }
.LBB2_1:
0x1c: {  	s0 =	rddreg [dreg:$0xa]  }
0x1d: {  	s22 =	rddreg [dreg:$0xb]  }
0x1e: {  	s23 =	rddreg [dreg:$0xc]  }
0x1f: {  	[tilespmem:s4], [sflag:$0x1] =	stream.linear.gather [hbm4b:s0+s4], $0x80, $0x38;
	[tilespmem:$0x17680] =	vst v63  }
0x20: {  	s3 =	simm.s32 $0x200;
	s7 =	rddreg [dreg:$0xe]  }
0x21: {  	[tilespmem:s3], [sflag:$0x1] =	stream.linear.gather [hbm4b:s22+s4], $0x4000, $0x38;
	[tilespmem:$0x17680] =	vst v63  }
0x22: {  	s24 =	simm.s32 $0x80;
	s8 =	rddreg [dreg:$0xf]  }
0x23: {  	[tilespmem:s24], [sflag:$0x2] =	stream.linear.gather [hbm4b:s23+s4], $0x80, $0x38;
	[tilespmem:$0x17680] =	vst v63  }
0x24: {  	s5 =	simm.s32 $0x4200;
	s30 =	sshrl.u32 s7, $0x3;
	s3 =	rddreg [dreg:$0xd]  }
0x25: {  	[tilespmem:s5], [sflag:$0x2] =	stream.linear.gather [hbm4b:s3+s4], $0x4000, $0x38;
	[tilespmem:$0x17680] =	vst v63  }
0x26: {  	[spmem:s30], [sflag:s13] =	dma.local [hbm:s8], $0x400  }
0x27: {  	_ =	swait.ge [sflag:s26], $0x400  }
0x28: {  	[sflag:s26] =	ssyncset.done $0x0;
	s9 =	rddreg [dreg:$0x10]  }
0x29: {  	[sflag:s26] =	ssyncadd.s32 $0xFFFFFC00;
	s31 =	sshrl.u32 s9, $0x3  }
0x2a: {  	[spmem:s31], [sflag:s13] =	dma.local [hbm:s15], $0x400  }
0x2b: {  	_ =	swait.ge [sflag:s26], $0x400  }
0x2c: {  	[sflag:s26] =	ssyncset.done $0x0  }
0x2d: {  	s11 =	simm.s32 $0x10200;
	s10 =	rddreg [dreg:$0x9];
	[sflag:s26] =	ssyncadd.s32 $0xFFFFFC00  }
0x2e: {  	[tilespmem:s11], [sflag:$0x9] =	stream.linear.gather [hbm4b:s10+s4], $0x4000, $0x38;
	[tilespmem:$0x17680] =	vst v63  }
0x2f: {  	_ =	swait.ge [sflag:s26], $0x4000  }
0x30: {  	[sflag:s26] =	ssyncset.done $0x0  }
0x31: {  	p3 =	por $0x1, $0x1;
	[sflag:s26] =	ssyncadd.s32 $0xFFFFC000  }
0x32: {  	s0 =	simm.s32 @!p3 $0x7;
	[bflag:$0x0] =	sbarrier.arrive $0xFFFF  }
0x33: {  	_ =	swait.ge @!p3 [sflag:s0], $0x4000  }
0x34: {  	[sflag:s0] =	ssyncset.done @!p3 $0x0  }
0x35: {  	[sflag:s0] =	ssyncadd.s32 @!p3 $0xFFFFC000  }
0x36: {  	_ =	swait.ge @!p3 [sflag:s0], $0x800  }
0x37: {  	s12 =	rddreg [dreg:$0x7]  }
0x38: {  	[sflag:s0] =	ssyncset.done @!p3 $0x0;
	p1 =	sle.u32 s12, $0x0  }
0x39: {  	[sflag:s0] =	ssyncadd.s32 @!p3 $0xFFFFF800;
	s3 =	simm.s32 @!p1 $0x1  }
0x3a: {  	_ =	swait.ge @!p1 [sflag:s3], $0x80  }
0x3b: {  	[sflag:s3] =	ssyncset.done @!p1 $0x0  }
0x3c: {  	[sflag:s3] =	ssyncadd.s32 @!p1 $0xFFFFFF80  }
0x3d: {  	s14 =	sadd.s32 $0x0, s6;
	_ =	swait.ge @!p1 [sflag:s3], $0x4000  }
0x3e: {  	s5 =	sadd.s32 $0x40, s14;
	s7 =	simm.s32 @!p1 $0x200;
	[sflag:s3] =	ssyncset.done @!p1 $0x0  }
0x3f: {  	s8 =	simm.s32 @!p1 $0x0;
	[sflag:s3] =	ssyncadd.s32 @!p1 $0xFFFFC000;
	s3 =	simm.s32 @!p1 $0x80  }
0x40: {  	[spmem:s1] =	stream.indirect.scatter.add.f32 @!p1 [tilespmem:s7], [sflag:$0x5], $0x80, s8, s3, $0xb8;
	[tilespmem:$0x17680] =	vst v63  }
0x41: {  	p2 =	sgt.u32 s5, $0x30C;
	s5 =	simm.s32 @!p1 $0x10200  }
0x42: {  	[spmem:s2] =	stream.indirect.scatter.add.f32 @!p1 [tilespmem:s5], [sflag:$0x5], $0x10, s8, s3, $0xb8;
	[tilespmem:$0x17680] =	vst v63  }
0x43: {  	s7 =	simm.s32 @!p2 $0x100;
	s3 =	sadd.s32 @!p2 $0xFFFFFE00, s25;
	s5 =	simm.s32 @!p2 $0x0  }
0x44: {  	[tilespmem:s7], [sflag:$0x3] =	stream.linear.gather @!p2 [hbm4b:s3+s5], $0x80, $0x38;
	[tilespmem:$0x17680] =	vst v63  }
0x45: {  	s9 =	simm.s32 @!p3 $0x8;
	s8 =	simm.s32 @!p2 $0x8200;
	s3 =	sadd.s32 @!p2 $0xFFFF0000, s28  }
0x46: {  	[tilespmem:s8], [sflag:$0x3] =	stream.linear.gather @!p2 [hbm4b:s3+s5], $0x4000, $0x38;
	[tilespmem:$0x17680] =	vst v63  }
0x47: {  	_ =	swait.ge @!p3 [sflag:s9], $0x4000  }
0x48: {  	[sflag:s9] =	ssyncset.done @!p3 $0x0  }
0x49: {  	[sflag:s9] =	ssyncadd.s32 @!p3 $0xFFFFC000  }
0x4a: {  	_ =	swait.ge @!p3 [sflag:s9], $0x800  }
0x4b: {  	s22 =	rddreg [dreg:$0x8]  }
0x4c: {  	[sflag:s9] =	ssyncset.done @!p3 $0x0;
	p4 =	sle.u32 s22, $0x0  }
0x4d: {  	[sflag:s9] =	ssyncadd.s32 @!p3 $0xFFFFF800;
	s3 =	simm.s32 @!p4 $0x2  }
0x4e: {  	_ =	swait.ge @!p4 [sflag:s3], $0x80  }
0x4f: {  	[sflag:s3] =	ssyncset.done @!p4 $0x0  }
0x50: {  	[sflag:s3] =	ssyncadd.s32 @!p4 $0xFFFFFF80  }
0x51: {  	_ =	swait.ge @!p4 [sflag:s3], $0x4000  }
0x52: {  	s23 =	sadd.s32 $0x60, s14;
	[sflag:s3] =	ssyncset.done @!p4 $0x0  }
0x53: {  	s9 =	simm.s32 @!p4 $0x4200;
	[sflag:s3] =	ssyncadd.s32 @!p4 $0xFFFFC000;
	s3 =	simm.s32 @!p4 $0x80  }
0x54: {  	[spmem:s1] =	stream.indirect.scatter.add.f32 @!p4 [tilespmem:s9], [sflag:$0x6], $0x80, s3, s3, $0xb8;
	[tilespmem:$0x17680] =	vst v63  }
0x55: {  	p3 =	sgt.u32 s23, $0x30C;
	s5 =	simm.s32 @!p4 $0x10200  }
0x56: {  	[spmem:s2] =	stream.indirect.scatter.add.f32 @!p4 [tilespmem:s5], [sflag:$0x6], $0x10, s3, s3, $0xb8;
	[tilespmem:$0x17680] =	vst v63  }
0x57: {  	s3 =	simm.s32 @!p3 $0x0;
	s5 =	simm.s32 @!p3 $0x180  }
0x58: {  	[tilespmem:s5], [sflag:$0x4] =	stream.linear.gather @!p3 [hbm4b:s25+s3], $0x80, $0x38;
	[tilespmem:$0x17680] =	vst v63  }
0x59: {  	s10 =	simm.s32 @!p1 $0x5;
	s9 =	simm.s32 @!p3 $0xC200  }
0x5a: {  	[tilespmem:s9], [sflag:$0x4] =	stream.linear.gather @!p3 [hbm4b:s28+s3], $0x4000, $0x38;
	[tilespmem:$0x17680] =	vst v63  }
0x5b: {  	_ =	swait.ge @!p1 [sflag:s10], $0x4000  }
0x5c: {  	[sflag:s10] =	ssyncset.done @!p1 $0x0  }
0x5d: {  	[sflag:s10] =	ssyncadd.s32 @!p1 $0xFFFFC000  }
0x5e: {  	_ =	swait.ge @!p1 [sflag:s10], $0x800  }
0x5f: {  	[sflag:s10] =	ssyncset.done @!p1 $0x0  }
0x60: {  	s3 =	simm.s32 @!p2 $0x3;
	[sflag:s10] =	ssyncadd.s32 @!p1 $0xFFFFF800  }
0x61: {  	_ =	swait.ge @!p2 [sflag:s3], $0x80  }
0x62: {  	[sflag:s3] =	ssyncset.done @!p2 $0x0  }
0x63: {  	[sflag:s3] =	ssyncadd.s32 @!p2 $0xFFFFFF80  }
0x64: {  	_ =	swait.ge @!p2 [sflag:s3], $0x4000  }
0x65: {  	[sflag:s3] =	ssyncset.done @!p2 $0x0  }
0x66: {  	s24 =	sadd.s32 $0x80, s14;
	s21 =	simm.s32 @!p2 $0x80;
	[sflag:s3] =	ssyncadd.s32 @!p2 $0xFFFFC000  }
0x67: {  	[spmem:s1] =	stream.indirect.scatter.add.f32 @!p2 [tilespmem:s8], [sflag:$0x7], $0x80, s7, s21, $0xb8;
	[tilespmem:$0x17680] =	vst v63  }
0x68: {  	p1 =	sgt.u32 s24, $0x30C;
	s3 =	simm.s32 @!p2 $0x10200  }
0x69: {  	[spmem:s2] =	stream.indirect.scatter.add.f32 @!p2 [tilespmem:s3], [sflag:$0x7], $0x10, s7, s21, $0xb8;
	[tilespmem:$0x17680] =	vst v63  }
0x6a: {  	s3 =	sadd.s32 @!p1 $0x200, s25;
	s7 =	simm.s32 @!p1 $0x0  }
0x6b: {  	[tilespmem:s7], [sflag:$0x1] =	stream.linear.gather @!p1 [hbm4b:s3+s7], $0x80, $0x38;
	[tilespmem:$0x17680] =	vst v63  }
0x6c: {  	s10 =	simm.s32 @!p4 $0x6;
	s8 =	simm.s32 @!p1 $0x200;
	s3 =	sadd.s32 @!p1 $0x10000, s28  }
0x6d: {  	[tilespmem:s8], [sflag:$0x1] =	stream.linear.gather @!p1 [hbm4b:s3+s7], $0x4000, $0x38;
	[tilespmem:$0x17680] =	vst v63  }
0x6e: {  	_ =	swait.ge @!p4 [sflag:s10], $0x4000  }
0x6f: {  	[sflag:s10] =	ssyncset.done @!p4 $0x0  }
0x70: {  	[sflag:s10] =	ssyncadd.s32 @!p4 $0xFFFFC000  }
0x71: {  	_ =	swait.ge @!p4 [sflag:s10], $0x800  }
0x72: {  	[sflag:s10] =	ssyncset.done @!p4 $0x0  }
0x73: {  	s3 =	simm.s32 @!p3 $0x4;
	[sflag:s10] =	ssyncadd.s32 @!p4 $0xFFFFF800  }
0x74: {  	_ =	swait.ge @!p3 [sflag:s3], $0x80  }
0x75: {  	s0 =	sadd.s32 $0xA0, s14;
	s23 =	simm.s32 $0x80;
	[sflag:s3] =	ssyncset.done @!p3 $0x0  }
0x76: {  	s22 =	smov.u32 s28;
	s24 =	simm.s32 $0x100;
	[sflag:s3] =	ssyncadd.s32 @!p3 $0xFFFFFF80  }
0x77: {  	p2 =	sgt.u32 s0, $0x30C;
	s0 =	sadd.s32 $0x40000, s28;
	_ =	swait.ge @!p3 [sflag:s3], $0x4000  }
0x78: {  	s21 =	smov.u32 s25;
	s7 =	simm.s32 @!p3 $0x80;
	[sflag:s3] =	ssyncset.done @!p3 $0x0  }
0x79: {  	s8 =	simm.s32 @!p3 $0x10200;
	[sflag:s3] =	ssyncadd.s32 @!p3 $0xFFFFC000;
	s3 =	sadd.s32 $0x800, s25  }
0x7a: {  	[spmem:s1] =	stream.indirect.scatter.add.f32 @!p3 [tilespmem:s9], [sflag:$0x8], $0x80, s5, s7, $0xb8;
	[tilespmem:$0x17680] =	vst v63  }
.LBB2_2:
0x7b: {  	[spmem:s2] =	stream.indirect.scatter.add.f32 @!p3 [tilespmem:s8], [sflag:$0x8], $0x10, s5, s7, $0xb8;
	[tilespmem:$0x17680] =	vst v63  }
0x7c: {  	s10 =	sadd.s32 @!p2 $0x400, s21;
	s11 =	simm.s32 @!p2 $0x0;
	s12 =	simm.s32 @!p2 $0x80  }
0x7d: {  	[tilespmem:s12], [sflag:$0x2] =	stream.linear.gather @!p2 [hbm4b:s10+s11], $0x80, $0x38;
	[tilespmem:$0x17680] =	vst v63  }
0x7e: {  	s5 =	sadd.s32 @!p2 $0x20000, s22;
	s7 =	simm.s32 @!p2 $0x4200;
	p3 =	seq.s32 s23, $0x0  }
0x7f: {  	[tilespmem:s7], [sflag:$0x2] =	stream.linear.gather @!p2 [hbm4b:s5+s11], $0x4000, $0x38;
	[tilespmem:$0x17680] =	vst v63  }
0x80: {  	s5 =	simm.s32 @!p3 $0x7  }
0x81: {  	_ =	swait.ge @!p3 [sflag:s5], $0x4000  }
0x82: {  	[sflag:s5] =	ssyncset.done @!p3 $0x0  }
0x83: {  	[sflag:s5] =	ssyncadd.s32 @!p3 $0xFFFFC000  }
0x84: {  	_ =	swait.ge @!p3 [sflag:s5], $0x800  }
0x85: {  	s11 =	rddreg [dreg:$0x7]  }
0x86: {  	[sflag:s5] =	ssyncset.done @!p3 $0x0;
	p5 =	sge.u32 s23, s11  }
0x87: {  	[sflag:s5] =	ssyncadd.s32 @!p3 $0xFFFFF800;
	s8 =	simm.s32 @!p5 $0x1  }
0x88: {  	_ =	swait.ge @!p5 [sflag:s8], $0x80  }
0x89: {  	s12 =	sadd.s32 s23, s6;
	[sflag:s8] =	ssyncset.done @!p5 $0x0  }
0x8a: {  	s14 =	sadd.s32 $0x40, s12;
	[sflag:s8] =	ssyncadd.s32 @!p5 $0xFFFFFF80  }
0x8b: {  	s10 =	sadd.s32 $0xA0, s12;
	s7 =	sadd.s32 $0x80, s12;
	_ =	swait.ge @!p5 [sflag:s8], $0x4000  }
0x8c: {  	p2 =	sgt.u32 s10, $0x30C;
	s11 =	simm.s32 @!p5 $0x200;
	[sflag:s8] =	ssyncset.done @!p5 $0x0  }
0x8d: {  	s10 =	simm.s32 @!p5 $0x0;
	[sflag:s8] =	ssyncadd.s32 @!p5 $0xFFFFC000;
	s8 =	simm.s32 @!p5 $0x80  }
0x8e: {  	[spmem:s1] =	stream.indirect.scatter.add.f32 @!p5 [tilespmem:s11], [sflag:$0x5], $0x80, s10, s8, $0xb8;
	[tilespmem:$0x17680] =	vst v63  }
0x8f: {  	p4 =	sgt.u32 s14, $0x30C;
	s14 =	simm.s32 @!p3 $0x8;
	s11 =	simm.s32 @!p5 $0x10200  }
0x90: {  	[spmem:s2] =	stream.indirect.scatter.add.f32 @!p5 [tilespmem:s11], [sflag:$0x5], $0x10, s10, s8, $0xb8;
	[tilespmem:$0x17680] =	vst v63  }
0x91: {  	s10 =	sadd.s32 @!p4 $0xFFFFFE00, s3;
	s11 =	simm.s32 @!p4 $0x0;
	s8 =	simm.s32 @!p4 $0x100  }
0x92: {  	[tilespmem:s8], [sflag:$0x3] =	stream.linear.gather @!p4 [hbm4b:s10+s11], $0x80, $0x38;
	[tilespmem:$0x17680] =	vst v63  }
0x93: {  	s5 =	sadd.s32 $0x60, s12;
	s12 =	sadd.s32 @!p4 $0xFFFF0000, s0;
	s10 =	simm.s32 @!p4 $0x8200  }
0x94: {  	[tilespmem:s10], [sflag:$0x3] =	stream.linear.gather @!p4 [hbm4b:s12+s11], $0x4000, $0x38;
	[tilespmem:$0x17680] =	vst v63  }
0x95: {  	_ =	swait.ge @!p3 [sflag:s14], $0x4000  }
0x96: {  	[sflag:s14] =	ssyncset.done @!p3 $0x0  }
0x97: {  	[sflag:s14] =	ssyncadd.s32 @!p3 $0xFFFFC000  }
0x98: {  	_ =	swait.ge @!p3 [sflag:s14], $0x800  }
0x99: {  	s12 =	rddreg [dreg:$0x8]  }
0x9a: {  	s9 =	smov.u32 s24;
	[sflag:s14] =	ssyncset.done @!p3 $0x0;
	p6 =	sge.u32 s23, s12  }
0x9b: {  	[sflag:s14] =	ssyncadd.s32 @!p3 $0xFFFFF800;
	s23 =	smov.u32 s9;
	s9 =	simm.s32 @!p6 $0x2  }
0x9c: {  	_ =	swait.ge @!p6 [sflag:s9], $0x80  }
0x9d: {  	[sflag:s9] =	ssyncset.done @!p6 $0x0  }
0x9e: {  	[sflag:s9] =	ssyncadd.s32 @!p6 $0xFFFFFF80  }
0x9f: {  	_ =	swait.ge @!p6 [sflag:s9], $0x4000  }
0xa0: {  	p3 =	sgt.u32 s5, $0x30C;
	[sflag:s9] =	ssyncset.done @!p6 $0x0  }
0xa1: {  	s5 =	simm.s32 @!p6 $0x80;
	[sflag:s9] =	ssyncadd.s32 @!p6 $0xFFFFC000;
	s9 =	simm.s32 @!p6 $0x4200  }
0xa2: {  	[spmem:s1] =	stream.indirect.scatter.add.f32 @!p6 [tilespmem:s9], [sflag:$0x6], $0x80, s5, s5, $0xb8;
	[tilespmem:$0x17680] =	vst v63  }
0xa3: {  	s9 =	simm.s32 @!p6 $0x10200  }
0xa4: {  	[spmem:s2] =	stream.indirect.scatter.add.f32 @!p6 [tilespmem:s9], [sflag:$0x6], $0x10, s5, s5, $0xb8;
	[tilespmem:$0x17680] =	vst v63  }
0xa5: {  	s11 =	simm.s32 @!p3 $0x0;
	s5 =	simm.s32 @!p3 $0x180  }
0xa6: {  	[tilespmem:s5], [sflag:$0x4] =	stream.linear.gather @!p3 [hbm4b:s3+s11], $0x80, $0x38;
	[tilespmem:$0x17680] =	vst v63  }
0xa7: {  	s12 =	simm.s32 @!p5 $0x5;
	s9 =	simm.s32 @!p3 $0xC200  }
0xa8: {  	[tilespmem:s9], [sflag:$0x4] =	stream.linear.gather @!p3 [hbm4b:s0+s11], $0x4000, $0x38;
	[tilespmem:$0x17680] =	vst v63  }
0xa9: {  	_ =	swait.ge @!p5 [sflag:s12], $0x4000  }
0xaa: {  	[sflag:s12] =	ssyncset.done @!p5 $0x0  }
0xab: {  	[sflag:s12] =	ssyncadd.s32 @!p5 $0xFFFFC000  }
0xac: {  	_ =	swait.ge @!p5 [sflag:s12], $0x800  }
0xad: {  	[sflag:s12] =	ssyncset.done @!p5 $0x0  }
0xae: {  	s11 =	simm.s32 @!p4 $0x3;
	[sflag:s12] =	ssyncadd.s32 @!p5 $0xFFFFF800  }
0xaf: {  	_ =	swait.ge @!p4 [sflag:s11], $0x80  }
0xb0: {  	[sflag:s11] =	ssyncset.done @!p4 $0x0  }
0xb1: {  	[sflag:s11] =	ssyncadd.s32 @!p4 $0xFFFFFF80  }
0xb2: {  	_ =	swait.ge @!p4 [sflag:s11], $0x4000  }
0xb3: {  	[sflag:s11] =	ssyncset.done @!p4 $0x0  }
0xb4: {  	s12 =	simm.s32 @!p4 $0x80;
	[sflag:s11] =	ssyncadd.s32 @!p4 $0xFFFFC000  }
0xb5: {  	[spmem:s1] =	stream.indirect.scatter.add.f32 @!p4 [tilespmem:s10], [sflag:$0x7], $0x80, s8, s12, $0xb8;
	[tilespmem:$0x17680] =	vst v63  }
0xb6: {  	s14 =	simm.s32 @!p4 $0x10200;
	p5 =	sgt.u32 s7, $0x30C  }
0xb7: {  	[spmem:s2] =	stream.indirect.scatter.add.f32 @!p4 [tilespmem:s14], [sflag:$0x7], $0x10, s8, s12, $0xb8;
	[tilespmem:$0x17680] =	vst v63  }
0xb8: {  	s7 =	sadd.s32 @!p5 $0x200, s3;
	s10 =	simm.s32 @!p5 $0x0  }
0xb9: {  	[tilespmem:s10], [sflag:$0x1] =	stream.linear.gather @!p5 [hbm4b:s7+s10], $0x80, $0x38;
	[tilespmem:$0x17680] =	vst v63  }
0xba: {  	s11 =	simm.s32 @!p5 $0x200;
	s8 =	sadd.s32 @!p5 $0x10000, s0;
	s7 =	simm.s32 @!p6 $0x6  }
0xbb: {  	[tilespmem:s11], [sflag:$0x1] =	stream.linear.gather @!p5 [hbm4b:s8+s10], $0x4000, $0x38;
	[tilespmem:$0x17680] =	vst v63  }
0xbc: {  	_ =	swait.ge @!p6 [sflag:s7], $0x4000  }
0xbd: {  	[sflag:s7] =	ssyncset.done @!p6 $0x0  }
0xbe: {  	[sflag:s7] =	ssyncadd.s32 @!p6 $0xFFFFC000  }
0xbf: {  	_ =	swait.ge @!p6 [sflag:s7], $0x800  }
0xc0: {  	[sflag:s7] =	ssyncset.done @!p6 $0x0  }
0xc1: {  	s10 =	simm.s32 @!p3 $0x4;
	[sflag:s7] =	ssyncadd.s32 @!p6 $0xFFFFF800  }
0xc2: {  	s24 =	sadd.s32 $0x80, s24;
	_ =	swait.ge @!p3 [sflag:s10], $0x80  }
0xc3: {  	p1 =	sne.s32 s24, $0x380;
	[sflag:s10] =	ssyncset.done @!p3 $0x0  }
.Ltmp0:
0xc4: {  	[sflag:s10] =	ssyncadd.s32 @!p3 $0xFFFFFF80;
	(pc) =	sbr.rel @p1 .LBB2_2-.Ltmp0, $4  }
0xc5: {  	s21 =	smov.u32 s3;
	s22 =	smov.u32 s0;
	_ =	swait.ge @!p3 [sflag:s10], $0x4000  }
0xc6: {  	s3 =	sadd.s32 $0x800, s3;
	s0 =	sadd.s32 $0x40000, s0;
	[sflag:s10] =	ssyncset.done @!p3 $0x0  }
0xc7: {  	s8 =	simm.s32 @!p3 $0x10200;
	s7 =	simm.s32 @!p3 $0x80;
	[sflag:s10] =	ssyncadd.s32 @!p3 $0xFFFFC000  }
0xc8: {  	[spmem:s1] =	stream.indirect.scatter.add.f32 @!p3 [tilespmem:s9], [sflag:$0x8], $0x80, s5, s7, $0xb8;
	[tilespmem:$0x17680] =	vst v63  }
0xc9: {  	[spmem:s2] =	stream.indirect.scatter.add.f32 @!p3 [tilespmem:s8], [sflag:$0x8], $0x10, s5, s7, $0xb8;
	[tilespmem:$0x17680] =	vst v63  }
0xca: {  	s5 =	sadd.s32 @!p2 $0x400, s21;
	s7 =	simm.s32 @!p2 $0x0;
	s8 =	simm.s32 @!p2 $0x80  }
0xcb: {  	[tilespmem:s8], [sflag:$0x2] =	stream.linear.gather @!p2 [hbm4b:s5+s7], $0x80, $0x38;
	[tilespmem:$0x17680] =	vst v63  }
0xcc: {  	p4 =	seq.s32 s23, $0x0;
	s5 =	sadd.s32 @!p2 $0x20000, s22;
	s8 =	simm.s32 @!p2 $0x4200  }
0xcd: {  	[tilespmem:s8], [sflag:$0x2] =	stream.linear.gather @!p2 [hbm4b:s5+s7], $0x4000, $0x38;
	[tilespmem:$0x17680] =	vst v63  }
0xce: {  	s5 =	simm.s32 @!p4 $0x7  }
0xcf: {  	_ =	swait.ge @!p4 [sflag:s5], $0x4000  }
0xd0: {  	[sflag:s5] =	ssyncset.done @!p4 $0x0  }
0xd1: {  	[sflag:s5] =	ssyncadd.s32 @!p4 $0xFFFFC000  }
0xd2: {  	_ =	swait.ge @!p4 [sflag:s5], $0x800  }
0xd3: {  	s14 =	rddreg [dreg:$0x7]  }
0xd4: {  	[sflag:s5] =	ssyncset.done @!p4 $0x0;
	p1 =	sge.u32 s23, s14  }
0xd5: {  	[sflag:s5] =	ssyncadd.s32 @!p4 $0xFFFFF800;
	s7 =	simm.s32 @!p1 $0x1  }
0xd6: {  	_ =	swait.ge @!p1 [sflag:s7], $0x80  }
0xd7: {  	[sflag:s7] =	ssyncset.done @!p1 $0x0  }
0xd8: {  	[sflag:s7] =	ssyncadd.s32 @!p1 $0xFFFFFF80  }
0xd9: {  	s5 =	sadd.s32 s23, s6;
	_ =	swait.ge @!p1 [sflag:s7], $0x4000  }
0xda: {  	s21 =	sadd.s32 $0x40, s5;
	s9 =	simm.s32 @!p1 $0x200;
	[sflag:s7] =	ssyncset.done @!p1 $0x0  }
0xdb: {  	s10 =	simm.s32 @!p1 $0x0;
	[sflag:s7] =	ssyncadd.s32 @!p1 $0xFFFFC000;
	s7 =	simm.s32 @!p1 $0x80  }
0xdc: {  	[spmem:s1] =	stream.indirect.scatter.add.f32 @!p1 [tilespmem:s9], [sflag:$0x5], $0x80, s10, s7, $0xb8;
	[tilespmem:$0x17680] =	vst v63  }
0xdd: {  	s8 =	simm.s32 @!p1 $0x10200;
	p2 =	sgt.u32 s21, $0x30C  }
0xde: {  	[spmem:s2] =	stream.indirect.scatter.add.f32 @!p1 [tilespmem:s8], [sflag:$0x5], $0x10, s10, s7, $0xb8;
	[tilespmem:$0x17680] =	vst v63  }
0xdf: {  	s9 =	simm.s32 @!p2 $0x100;
	s7 =	sadd.s32 @!p2 $0xFFFFFE00, s3;
	s8 =	simm.s32 @!p2 $0x0  }
0xe0: {  	[tilespmem:s9], [sflag:$0x3] =	stream.linear.gather @!p2 [hbm4b:s7+s8], $0x80, $0x38;
	[tilespmem:$0x17680] =	vst v63  }
0xe1: {  	s11 =	simm.s32 @!p4 $0x8;
	s10 =	simm.s32 @!p2 $0x8200;
	s7 =	sadd.s32 @!p2 $0xFFFF0000, s0  }
0xe2: {  	[tilespmem:s10], [sflag:$0x3] =	stream.linear.gather @!p2 [hbm4b:s7+s8], $0x4000, $0x38;
	[tilespmem:$0x17680] =	vst v63  }
0xe3: {  	_ =	swait.ge @!p4 [sflag:s11], $0x4000  }
0xe4: {  	[sflag:s11] =	ssyncset.done @!p4 $0x0  }
0xe5: {  	[sflag:s11] =	ssyncadd.s32 @!p4 $0xFFFFC000  }
0xe6: {  	_ =	swait.ge @!p4 [sflag:s11], $0x800  }
0xe7: {  	s22 =	rddreg [dreg:$0x8]  }
0xe8: {  	[sflag:s11] =	ssyncset.done @!p4 $0x0;
	p3 =	sge.u32 s23, s22  }
0xe9: {  	[sflag:s11] =	ssyncadd.s32 @!p4 $0xFFFFF800;
	s7 =	simm.s32 @!p3 $0x2  }
0xea: {  	_ =	swait.ge @!p3 [sflag:s7], $0x80  }
0xeb: {  	[sflag:s7] =	ssyncset.done @!p3 $0x0  }
0xec: {  	[sflag:s7] =	ssyncadd.s32 @!p3 $0xFFFFFF80  }
0xed: {  	_ =	swait.ge @!p3 [sflag:s7], $0x4000  }
0xee: {  	s23 =	sadd.s32 $0x60, s5;
	[sflag:s7] =	ssyncset.done @!p3 $0x0  }
0xef: {  	s11 =	simm.s32 @!p3 $0x4200;
	[sflag:s7] =	ssyncadd.s32 @!p3 $0xFFFFC000;
	s7 =	simm.s32 @!p3 $0x80  }
0xf0: {  	[spmem:s1] =	stream.indirect.scatter.add.f32 @!p3 [tilespmem:s11], [sflag:$0x6], $0x80, s7, s7, $0xb8;
	[tilespmem:$0x17680] =	vst v63  }
0xf1: {  	p4 =	sgt.u32 s23, $0x30C;
	s8 =	simm.s32 @!p3 $0x10200  }
0xf2: {  	[spmem:s2] =	stream.indirect.scatter.add.f32 @!p3 [tilespmem:s8], [sflag:$0x6], $0x10, s7, s7, $0xb8;
	[tilespmem:$0x17680] =	vst v63  }
0xf3: {  	s7 =	simm.s32 @!p4 $0x0;
	s8 =	simm.s32 @!p4 $0x180  }
0xf4: {  	[tilespmem:s8], [sflag:$0x4] =	stream.linear.gather @!p4 [hbm4b:s3+s7], $0x80, $0x38;
	[tilespmem:$0x17680] =	vst v63  }
0xf5: {  	s12 =	simm.s32 @!p1 $0x5;
	s11 =	simm.s32 @!p4 $0xC200  }
0xf6: {  	[tilespmem:s11], [sflag:$0x4] =	stream.linear.gather @!p4 [hbm4b:s0+s7], $0x4000, $0x38;
	[tilespmem:$0x17680] =	vst v63  }
0xf7: {  	_ =	swait.ge @!p1 [sflag:s12], $0x4000  }
0xf8: {  	[sflag:s12] =	ssyncset.done @!p1 $0x0  }
0xf9: {  	[sflag:s12] =	ssyncadd.s32 @!p1 $0xFFFFC000  }
0xfa: {  	_ =	swait.ge @!p1 [sflag:s12], $0x800  }
0xfb: {  	[sflag:s12] =	ssyncset.done @!p1 $0x0  }
0xfc: {  	s7 =	simm.s32 @!p2 $0x3;
	[sflag:s12] =	ssyncadd.s32 @!p1 $0xFFFFF800  }
0xfd: {  	_ =	swait.ge @!p2 [sflag:s7], $0x80  }
0xfe: {  	[sflag:s7] =	ssyncset.done @!p2 $0x0  }
0xff: {  	[sflag:s7] =	ssyncadd.s32 @!p2 $0xFFFFFF80  }
0x100: {  	_ =	swait.ge @!p2 [sflag:s7], $0x4000  }
0x101: {  	[sflag:s7] =	ssyncset.done @!p2 $0x0  }
0x102: {  	s24 =	sadd.s32 $0x80, s5;
	s14 =	simm.s32 @!p2 $0x80;
	[sflag:s7] =	ssyncadd.s32 @!p2 $0xFFFFC000  }
0x103: {  	[spmem:s1] =	stream.indirect.scatter.add.f32 @!p2 [tilespmem:s10], [sflag:$0x7], $0x80, s9, s14, $0xb8;
	[tilespmem:$0x17680] =	vst v63  }
0x104: {  	p1 =	sgt.u32 s24, $0x30C;
	s7 =	simm.s32 @!p2 $0x10200  }
0x105: {  	[spmem:s2] =	stream.indirect.scatter.add.f32 @!p2 [tilespmem:s7], [sflag:$0x7], $0x10, s9, s14, $0xb8;
	[tilespmem:$0x17680] =	vst v63  }
0x106: {  	s7 =	sadd.s32 @!p1 $0x200, s3;
	s9 =	simm.s32 @!p1 $0x0  }
0x107: {  	[tilespmem:s9], [sflag:$0x1] =	stream.linear.gather @!p1 [hbm4b:s7+s9], $0x80, $0x38;
	[tilespmem:$0x17680] =	vst v63  }
0x108: {  	s12 =	simm.s32 @!p3 $0x6;
	s10 =	simm.s32 @!p1 $0x200;
	s7 =	sadd.s32 @!p1 $0x10000, s0  }
0x109: {  	[tilespmem:s10], [sflag:$0x1] =	stream.linear.gather @!p1 [hbm4b:s7+s9], $0x4000, $0x38;
	[tilespmem:$0x17680] =	vst v63  }
0x10a: {  	_ =	swait.ge @!p3 [sflag:s12], $0x4000  }
0x10b: {  	[sflag:s12] =	ssyncset.done @!p3 $0x0  }
0x10c: {  	[sflag:s12] =	ssyncadd.s32 @!p3 $0xFFFFC000  }
0x10d: {  	_ =	swait.ge @!p3 [sflag:s12], $0x800  }
0x10e: {  	[sflag:s12] =	ssyncset.done @!p3 $0x0  }
0x10f: {  	s7 =	simm.s32 @!p4 $0x4;
	[sflag:s12] =	ssyncadd.s32 @!p3 $0xFFFFF800  }
0x110: {  	_ =	swait.ge @!p4 [sflag:s7], $0x80  }
0x111: {  	[sflag:s7] =	ssyncset.done @!p4 $0x0  }
0x112: {  	[sflag:s7] =	ssyncadd.s32 @!p4 $0xFFFFFF80  }
0x113: {  	_ =	swait.ge @!p4 [sflag:s7], $0x4000  }
0x114: {  	[sflag:s7] =	ssyncset.done @!p4 $0x0  }
0x115: {  	s5 =	sadd.s32 $0xA0, s5;
	s9 =	simm.s32 @!p4 $0x80;
	[sflag:s7] =	ssyncadd.s32 @!p4 $0xFFFFC000  }
0x116: {  	[spmem:s1] =	stream.indirect.scatter.add.f32 @!p4 [tilespmem:s11], [sflag:$0x8], $0x80, s8, s9, $0xb8;
	[tilespmem:$0x17680] =	vst v63  }
0x117: {  	p1 =	sgt.u32 s5, $0x30C;
	s5 =	simm.s32 @!p4 $0x10200  }
0x118: {  	[spmem:s2] =	stream.indirect.scatter.add.f32 @!p4 [tilespmem:s5], [sflag:$0x8], $0x10, s8, s9, $0xb8;
	[tilespmem:$0x17680] =	vst v63  }
0x119: {  	s3 =	sadd.s32 @!p1 $0x400, s3;
	s7 =	simm.s32 @!p1 $0x80;
	s5 =	simm.s32 @!p1 $0x0  }
0x11a: {  	[tilespmem:s7], [sflag:$0x2] =	stream.linear.gather @!p1 [hbm4b:s3+s5], $0x80, $0x38;
	[tilespmem:$0x17680] =	vst v63  }
0x11b: {  	s0 =	sadd.s32 @!p1 $0x20000, s0;
	s3 =	simm.s32 @!p1 $0x4200  }
0x11c: {  	[tilespmem:s3], [sflag:$0x2] =	stream.linear.gather @!p1 [hbm4b:s0+s5], $0x4000, $0x38;
	[tilespmem:$0x17680] =	vst v63  }
0x11d: {  	s0 =	simm.s32 @!p0 $0x0;
	s3 =	simm.s32 @!p0 $0x14200;
	s5 =	simm.s32 @!p0 $0x9  }
0x11e: {  	[tilespmem:s3], [sflag:$0x9] =	stream.linear.gather @!p0 [hbm4b:s16+s0], $0x20, $0x38;
	[tilespmem:$0x17680] =	vst v63  }
0x11f: {  	_ =	swait.ge @!p0 [sflag:s5], $0x20  }
0x120: {  	[sflag:s5] =	ssyncset.done @!p0 $0x0  }
0x121: {  	s7 =	simm.s32 @!p0 $0x14280;
	[sflag:s5] =	ssyncadd.s32 @!p0 $0xFFFFFFE0  }
0x122: {  	[tilespmem:s7], [sflag:$0x9] =	stream.linear.gather @!p0 [hbm4b:s17+s0], $0x1000, $0x38;
	[tilespmem:$0x17680] =	vst v63  }
0x123: {  	_ =	swait.ge @!p0 [sflag:s5], $0x1000  }
0x124: {  	[sflag:s5] =	ssyncset.done @!p0 $0x0  }
0x125: {  	s0 =	simm.s32 @!p0 $0x20;
	[sflag:s5] =	ssyncadd.s32 @!p0 $0xFFFFF000  }
0x126: {  	[spmem:s1] =	stream.indirect.scatter.add.f32 @!p0 [tilespmem:s7], [sflag:$0x9], $0x80, s3, s0, $0xb8;
	[tilespmem:$0x17680] =	vst v63  }
0x127: {  	_ =	swait.ge @!p0 [sflag:s5], $0x1000  }
0x128: {  	[sflag:s5] =	ssyncset.done @!p0 $0x0  }
0x129: {  	s7 =	simm.s32 @!p0 $0x10200;
	[sflag:s5] =	ssyncadd.s32 @!p0 $0xFFFFF000  }
0x12a: {  	[spmem:s2] =	stream.indirect.scatter.add.f32 @!p0 [tilespmem:s7], [sflag:$0x9], $0x10, s3, s0, $0xb8;
	[tilespmem:$0x17680] =	vst v63  }
0x12b: {  	_ =	swait.ge @!p0 [sflag:s5], $0x200  }
0x12c: {  	[sflag:s5] =	ssyncset.done @!p0 $0x0  }
0x12d: {  	[sflag:s5] =	ssyncadd.s32 @!p0 $0xFFFFFE00  }
0x12e: {  	[bflag:$0x0] =	sbarrier.arrive $0xFFFF  }
0x12f: {  	[hbm:s18], [sflag:s13] =	dma.local [spmem:s30], $0x400  }
0x130: {  	s29 =	sadd.s32 $0x1, s29;
	_ =	swait.ge [sflag:s26], $0x400  }
0x131: {  	p1 =	sne.s32 s29, s20;
	[sflag:s26] =	ssyncset.done $0x0  }
.Ltmp1:
0x132: {  	[sflag:s26] =	ssyncadd.s32 $0xFFFFFC00;
	(pc) =	sbr.rel @p1 .LBB2_1-.Ltmp1, $4  }
0x133: {  	[hbm:s19], [sflag:s13] =	dma.local [spmem:s31], $0x400  }
0x134: {  	_ =	swait.ge [sflag:s26], $0x400  }
0x135: {  	[sflag:s26] =	ssyncset.done $0x0  }
0x136: {  	[sflag:s26] =	ssyncadd.s32 $0xFFFFFC00  }
0x137: {  	_ =	sfence.sel $0x180000  }
0x138: {  	[bflag:$0x0] =	sbarrier.arrive $0xFFFF  }
0x139: {  	_ =	strace $0x90000047  }
0x13a: {  	s0 =	stileid.u32;
	[bflag:$0x2] =	sbarrier.arrive $0xFFFF  }
0x13b: {  	p0 =	sne.s32 s0, $0x0;
	s0 =	rddreg [dreg:$0x6]  }
0x13c: {  	s0 =	sadd.s32 @!p0 $0x100000, s0  }
0x13d: {  	[sflag:s0] =	ssyncadd.tile.s32 @!p0 $0x1;
	_ =	shalt  }
.Lfunc_end2:
_tile_overlayer_lowered:
.L_overlay_start_2:
0x13e: {  	(tag) =	ssettag $0x2  }
0x13f: {  	s0 =	rddreg [dreg:$0x0];
	s2 =	stileid.u32  }
0x140: {  	s1 =	rddreg [dreg:$0x1];
	p0 =	sne.s32 s2, $0x0  }
0x141: {  	s3 =	rddreg [dreg:$0x2];
	[bflag:$0x3] =	sbarrier.arrive $0xFFFF;
	s2 =	simm.s32 @!p0 $0x1C09  }
0x142: {  	[timem:s3], [sflag:s2] =	dma.local @!p0 [hbm:s0], s1  }
0x143: {  	s0 =	simm.s32 @!p0 $0x9  }
0x144: {  	_ =	swait.ge @!p0 [sflag:s0], s1  }
0x145: {  	s1 =	ssub.s32 @!p0 $0x0, s1;
	[sflag:s0] =	ssyncset.done @!p0 $0x0  }
0x146: {  	[sflag:s0] =	ssyncadd.s32 @!p0 s1  }
0x147: {  	[bflag:$0x3] =	sbarrier.arrive $0xFFFF  }
0x148: {  	_ =	shalt  }

</sc_bundles>
